<compile_context>
chip_gen: v7x
topology: tpu7x:2x2x1
jax: 0.10.2.dev20260603
libtpu: 0.0.44.dev20260713+nightly
codegen_flags: <defaults>
</compile_context>

<pallas_src>
import functools

import numpy as np
import jax
import jax.numpy as jnp
from jax.experimental import pallas as pl
from jax.experimental.pallas import tpu as pltpu
from jax.experimental.pallas import tpu_sc as plsc

_K = 5
_MARGIN = 0.2
_CUTOFF = 0.5
_NZCUT = 1.4


def _row_block(n, cap):
    best = 8
    for b in range(8, cap + 1, 8):
        if n % b == 0:
            best = b
    return best


def _logw_block(xi, xa, row0):
    BR, d = xi.shape
    n = xa.shape[0]
    G = jax.lax.dot_general(xi, xa, (((1,), (1,)), ((), ())),
                            preferred_element_type=jnp.float32)
    sqi = jnp.sum(xi * xi, axis=1, keepdims=True)
    ones = jnp.ones((8, d), jnp.float32)
    sqa = jax.lax.dot_general(ones, xa * xa, (((1,), (1,)), ((), ())),
                              preferred_element_type=jnp.float32)[0:1]
    rows = row0 + jax.lax.broadcasted_iota(jnp.int32, (BR, n), 0)
    cols = jax.lax.broadcasted_iota(jnp.int32, (BR, n), 1)
    dist2 = sqi + sqa - 2.0 * G + jnp.where(rows == cols, 1.0, 0.0)
    dis = jnp.sqrt(jnp.maximum(dist2, 1e-12))
    dis = jnp.maximum(dis, _CUTOFF)
    log_w = ((2.0 - float(d)) * jnp.log(dis)
             - (float(d - 3) / 2.0) * jnp.log(jnp.maximum(1.0 - 0.25 * dis * dis, 1e-8)))
    keep = jnp.logical_and(rows // _K != cols // _K, dis < _NZCUT)
    return log_w, keep


def _stats_body(xi_ref, xa_ref, m_ref, s_ref, raw_ref):
    i = pl.program_id(0)
    xi = xi_ref[...]
    xa = xa_ref[...]
    BR = xi.shape[0]
    log_w, keep = _logw_block(xi, xa, i * BR)
    raw = jnp.max(log_w, axis=1, keepdims=True)
    mker = jnp.where(keep, log_w, -1e30)
    m = jnp.max(mker, axis=1, keepdims=True)
    e = jnp.where(keep, jnp.exp(log_w - m), 0.0)
    s = jnp.sum(e, axis=1, keepdims=True)
    m_ref[...] = jnp.broadcast_to(m, m_ref.shape)
    s_ref[...] = jnp.broadcast_to(s, s_ref.shape)
    raw_ref[...] = jnp.broadcast_to(raw, raw_ref.shape)


def _gumbel_block(m):
    ks1 = jnp.int32(42)
    ks2 = jnp.int32(42 ^ 0x1BD11BDA)

    def rot(x, c):
        return jax.lax.shift_left(x, jnp.int32(c)) | jax.lax.shift_right_logical(
            x, jnp.int32(32 - c))

    def rounds(x0, x1, rots):
        for c in rots:
            x0 = x0 + x1
            x1 = rot(x1, c)
            x1 = x0 ^ x1
        return x0, x1

    x1 = m + ks1
    x0 = x1
    x1 = rot(x1, 13) ^ x0
    x0, x1 = rounds(x0, x1, (15, 26, 6))
    x0, x1 = x0 + ks1, x1 + ks2 + jnp.int32(1)
    x0, x1 = rounds(x0, x1, (17, 29, 16, 24))
    x0, x1 = x0 + ks2, x1 + jnp.int32(2)
    x0, x1 = rounds(x0, x1, (13, 15, 26, 6))
    x0, x1 = x0, x1 + ks1 + jnp.int32(3)
    x0, x1 = rounds(x0, x1, (17, 29, 16, 24))
    x0, x1 = x0 + ks1, x1 + ks2 + jnp.int32(4)
    x0, x1 = rounds(x0, x1, (13, 15, 26, 6))
    x0, x1 = x0 + ks2, x1 + jnp.int32(5)
    bits = x0 ^ x1

    fb = jax.lax.shift_right_logical(bits, jnp.int32(9)) | jnp.int32(0x3F800000)
    floats = jax.lax.bitcast_convert_type(fb, jnp.float32) - jnp.float32(1.0)
    tiny = jnp.float32(np.finfo(np.float32).tiny)
    u = jax.lax.max(tiny, floats + tiny)
    return -jnp.log(-jnp.log(u))


def _sample_body(c_ref, mm_ref, xi_ref, xa_ref, g_ref, idx_ref, logits_s):
    i = pl.program_id(0)
    xi = xi_ref[...]
    BR = xi.shape[0]
    n = xa_ref.shape[0]

    @pl.when(pl.program_id(1) == 0)
    def _():
        log_w, keep = _logw_block(xi, xa_ref[...], i * BR)
        w = jnp.where(keep, jnp.exp(log_w - mm_ref[0, 0]), 0.0)
        wn = w / c_ref[...]
        logits_s[...] = jnp.log(wn + 1e-12)

    vals = logits_s[...] + g_ref[0]
    mx = jnp.max(vals, axis=1, keepdims=True)
    cols = jax.lax.broadcasted_iota(jnp.int32, vals.shape, 1)
    idx = jnp.min(jnp.where(vals == mx, cols, n), axis=1, keepdims=True)
    idx_ref[0] = idx


def _sample_negative_indices(xs):
    n, d = xs.shape
    BR1 = _row_block(n, 256)
    m, s, raw = pl.pallas_call(
        _stats_body,
        grid=(n // BR1,),
        in_specs=[
            pl.BlockSpec((BR1, d), lambda i: (i, 0)),
            pl.BlockSpec((n, d), lambda i: (0, 0)),
        ],
        out_specs=[
            pl.BlockSpec((BR1, 128), lambda i: (i, 0)),
            pl.BlockSpec((BR1, 128), lambda i: (i, 0)),
            pl.BlockSpec((BR1, 128), lambda i: (i, 0)),
        ],
        out_shape=[jax.ShapeDtypeStruct((n, 128), jnp.float32)] * 3,
    )(xs, xs)
    mm = jnp.max(raw[:, 0]).reshape(1, 1)
    c = s[:, :1] * jnp.exp(m[:, :1] - mm) + 1e-8

    g = jax.random.gumbel(jax.random.key(42), (_K - 1, n, n), jnp.float32)

    BR2 = _row_block(n, 128)
    idx = pl.pallas_call(
        _sample_body,
        grid=(n // BR2, _K - 1),
        in_specs=[
            pl.BlockSpec((BR2, 1), lambda i, r: (i, 0)),
            pl.BlockSpec((1, 1), lambda i, r: (0, 0)),
            pl.BlockSpec((BR2, d), lambda i, r: (i, 0)),
            pl.BlockSpec((n, d), lambda i, r: (0, 0)),
            pl.BlockSpec((1, BR2, n), lambda i, r: (r, i, 0)),
        ],
        out_specs=pl.BlockSpec((1, BR2, 1), lambda i, r: (r, i, 0)),
        out_shape=jax.ShapeDtypeStruct((_K - 1, n, 1), jnp.int32),
        scratch_shapes=[pltpu.VMEM((BR2, n), jnp.float32)],
    )(c, mm, xs, xs, g)
    return idx[:, :, 0].T.reshape(-1)


def _sc_sqrt(z):
    bz = plsc.bitcast(z, jnp.int32)
    y = plsc.bitcast(jnp.int32(0x5F3759DF) - jax.lax.shift_right_logical(bz, jnp.int32(1)),
                     jnp.float32)
    half = jnp.float32(0.5) * z
    for _ in range(3):
        y = y * (jnp.float32(1.5) - half * y * y)
    return z * y


def _make_sc_loss(n, d, margin):
    info = plsc.get_sparse_core_info()
    nw = info.num_cores * info.num_subcores
    apw = n // nw
    tpw = apw * (_K - 1)
    chunks = -(-tpw // 128)
    tpad = chunks * 128
    iters = tpad // 16
    slab_rows = min(n, ((apw + 7) // 8) * 8 + 8)
    mesh = plsc.VectorSubcoreMesh(core_axis_name="c", subcore_axis_name="s")

    @functools.partial(
        pl.kernel,
        mesh=mesh,
        compiler_params=pltpu.CompilerParams(needs_layout_passes=False),
        out_type=[
            jax.ShapeDtypeStruct((nw * 16,), jnp.float32),
            jax.ShapeDtypeStruct((nw * 16,), jnp.int32),
        ],
        scratch_types=[
            pltpu.VMEM((slab_rows, d), jnp.float32),
            pltpu.VMEM((tpad, d), jnp.float32),
            pltpu.VMEM((chunks, 128), jnp.int32),
            pltpu.VMEM((slab_rows,), jnp.float32),
            pltpu.VMEM((16,), jnp.float32),
            pltpu.VMEM((16,), jnp.int32),
            pltpu.SemaphoreType.DMA,
        ],
    )
    def sc_loss(x_hbm, nidx_hbm, beta_hbm, sums_hbm, cnts_hbm,
                slab_v, negs_v, idx_v, beta_v, sout_v, cout_v, sem):
        wid = jax.lax.axis_index("s") * info.num_cores + jax.lax.axis_index("c")
        base_a = wid * apw
        slab0 = pl.multiple_of(
            jnp.minimum((base_a // 8) * 8, n - slab_rows), 8)
        off = base_a - slab0
        pltpu.sync_copy(nidx_hbm.at[wid], idx_v)
        gathers = [
            pltpu.async_copy(x_hbm.at[idx_v.at[cchunk]],
                             negs_v.at[pl.ds(cchunk * 128, 128)], sem)
            for cchunk in range(chunks)
        ]
        pltpu.sync_copy(x_hbm.at[pl.ds(slab0, slab_rows)], slab_v)
        pltpu.sync_copy(beta_hbm.at[pl.ds(slab0, slab_rows)], beta_v)
        for cp in gathers:
            cp.wait()

        lane = jax.lax.iota(jnp.int32, 16)

        def tri_body(it, carry):
            s_acc, c_acc = carry
            t16 = it * 16 + lane
            a_loc = jax.lax.shift_right_logical(t16, jnp.int32(2))
            rr = jax.lax.bitwise_and(t16, jnp.int32(3))
            blk = jax.lax.shift_right_logical(a_loc * jnp.int32(52429), jnp.int32(18))
            pos_in = a_loc - blk * jnp.int32(_K)
            mth = jnp.where(rr >= pos_in, rr + jnp.int32(1), rr)
            p_loc = blk * jnp.int32(_K) + mth
            beta16 = plsc.load_gather(beta_v, [off + a_loc])

            a_row = off + a_loc
            p_row = off + p_loc

            def dim_body(dc, dcarry):
                ap, an = dcarry
                for u in range(8):
                    dsplat = jnp.full((16,), dc * 8 + u, jnp.int32)
                    a_d = plsc.load_gather(slab_v, [a_row, dsplat])
                    p_d = plsc.load_gather(slab_v, [p_row, dsplat])
                    n_d = plsc.load_gather(negs_v, [t16, dsplat])
                    ap = ap + (a_d - p_d) * (a_d - p_d)
                    an = an + (a_d - n_d) * (a_d - n_d)
                return (ap, an)

            zero = jnp.zeros((16,), jnp.float32)
            ap, an = plsc.parallel_loop(0, d // 8, carry=(zero, zero))(dim_body)
            d_ap = _sc_sqrt(ap + jnp.float32(1e-8))
            d_an = _sc_sqrt(an + jnp.float32(1e-8))
            pos = jnp.maximum(d_ap - beta16 + jnp.float32(margin), jnp.float32(0.0))
            neg = jnp.maximum(beta16 - d_an + jnp.float32(margin), jnp.float32(0.0))
            valid = t16 < jnp.int32(tpw)
            hit = jnp.logical_and(valid,
                                  jnp.logical_or(pos > jnp.float32(0.0),
                                                 neg > jnp.float32(0.0)))
            s_acc = s_acc + jnp.where(valid, pos + neg, jnp.float32(0.0))
            c_acc = c_acc + jnp.where(hit, jnp.int32(1), jnp.int32(0))
            return (s_acc, c_acc)

        zf = jnp.zeros((16,), jnp.float32)
        zi = jnp.zeros((16,), jnp.int32)
        s_acc, c_acc = plsc.parallel_loop(0, iters, carry=(zf, zi))(tri_body)
        sout_v[...] = s_acc
        cout_v[...] = c_acc
        pltpu.sync_copy(sout_v, sums_hbm.at[pl.ds(wid * 16, 16)])
        pltpu.sync_copy(cout_v, cnts_hbm.at[pl.ds(wid * 16, 16)])

    return sc_loss


def _triplet_indices(n, k):
    a_idx = np.repeat(np.arange(n), k - 1)
    blocks = np.arange(n) // k
    offs = np.arange(k)
    p_full = blocks[:, None] * k + offs[None, :]
    p_keep = p_full != np.arange(n)[:, None]
    p_idx = p_full[p_keep]
    return a_idx, p_idx


def kernel(x, y, beta_in):
    n, d = x.shape
    xs = jax.lax.stop_gradient(x)
    n_index = _sample_negative_indices(xs)

    info = plsc.get_sparse_core_info()
    nw = info.num_cores * info.num_subcores
    tpw = (n // nw) * (_K - 1)
    chunks = -(-tpw // 128)
    nidx = jnp.pad(n_index.reshape(nw, tpw), ((0, 0), (0, chunks * 128 - tpw))
                   ).reshape(nw, chunks, 128).astype(jnp.int32)
    sums, cnts = _make_sc_loss(n, d, _MARGIN)(x, nidx, beta_in)
    pair_cnt = jnp.sum(cnts)
    return jnp.sum(sums) / pair_cnt.astype(jnp.float32)

# --- scband reference (transcript-rebuilt; emitter-appended) ---
"""Pipeline reference for scband-margin-loss-38465727103368 (READ-ONLY COPY).

The authoritative reference and input builder live on the scoring server;
editing this copy changes nothing except your own understanding.
"""

import jax, jax.numpy as jnp
import numpy as np

BATCH_K = 5
MARGIN = 0.2
NU = 0.0
CUTOFF = 0.5
NONZERO_LOSS_CUTOFF = 1.4


def setup_inputs(seed: int = 0) -> dict:
    key = jax.random.key(seed)
    k1, k2, k3 = jax.random.split(key, 3)
    n, d = 4000, 128
    x = jax.random.normal(k1, (n, d), dtype=jnp.float32)
    # embeddings are L2-normalized in the margin-loss paper so pairwise
    # distances lie in [0, 2] and the distance-weighted sampling weights are finite
    x = x / (jnp.linalg.norm(x, axis=1, keepdims=True) + 1e-8)
    y = jax.random.randint(k2, (n,), 0, 200)
    beta_in = jax.random.uniform(k3, (n,), dtype=jnp.float32)
    return {"x": x, "y": y, "beta_in": beta_in}


def _pair_indices(n, k):
    # anchor/positive pairs: for each i, all j in its k-block with j != i
    a_idx = np.repeat(np.arange(n), k - 1)
    blocks = np.arange(n) // k
    offs = np.arange(k)
    p_full = blocks[:, None] * k + offs[None, :]
    keep = p_full != np.arange(n)[:, None]
    p_idx = p_full[keep]
    return a_idx, p_idx


def _sample_negatives(x, k):
    # distance-weighted negative sampling (deterministic jax RNG replaces np.random.choice)
    n, d = x.shape
    sq = jnp.sum(x * x, axis=1, keepdims=True)
    dist2 = sq + sq.T - 2.0 * (x @ x.T) + jnp.eye(n, dtype=x.dtype)
    dis = jnp.sqrt(jnp.maximum(dist2, 1e-12))
    dis = jnp.maximum(dis, CUTOFF)
    log_w = (2.0 - float(d)) * jnp.log(dis) - (float(d - 3) / 2.0) * jnp.log(
        jnp.maximum(1.0 - 0.25 * dis * dis, 1e-8))
    w = jnp.exp(log_w - jnp.max(log_w))
    blocks = jnp.arange(n) // k
    mask = (blocks[:, None] != blocks[None, :]).astype(x.dtype)
    w = w * mask * (dis < NONZERO_LOSS_CUTOFF).astype(x.dtype)
    w = w / (jnp.sum(w, axis=1, keepdims=True) + 1e-8)
    logits = jnp.log(w + 1e-12)  # rows with all-zero weights fall back to uniform
    samples = jax.random.categorical(jax.random.key(42), logits, axis=-1, shape=(k - 1, n))
    return samples.T.reshape(-1)


def reference(x, y, beta_in):
    n, d = x.shape
    k = BATCH_K
    xs = jax.lax.stop_gradient(x)
    n_index = _sample_negatives(xs, k)
    a_np, p_np = _pair_indices(n, k)
    a_idx = jnp.asarray(a_np)
    p_idx = jnp.asarray(p_np)
    beta_work = beta_in[a_idx]
    beta_reg_loss = jnp.sum(beta_work) * NU
    anchors = x[a_idx]
    positives = x[p_idx]
    negatives = x[n_index]
    d_ap = jnp.sqrt(jnp.sum((anchors - positives) * (anchors - positives), axis=1) + 1e-8)
    d_an = jnp.sqrt(jnp.sum((anchors - negatives) * (anchors - negatives), axis=1) + 1e-8)
    pos_loss = jax.nn.relu(d_ap - beta_work + MARGIN)
    neg_loss = jax.nn.relu(beta_work - d_an + MARGIN)
    pair_cnt = jnp.sum(jnp.logical_or(pos_loss > 0.0, neg_loss > 0.0))
    loss = (jnp.sum(pos_loss + neg_loss) + beta_reg_loss) / pair_cnt.astype(jnp.float32)
    return loss

if __name__ == "__main__":
    import jax
    _d = setup_inputs()
    print(jax.jit(kernel)(*tuple(_d.values())))

</pallas_src>

<mosaic_0001>
#map = affine_map<(d0, d1) -> (0, 0)>
#map1 = affine_map<(d0, d1) -> (0, 0, 0)>
#map2 = affine_map<(d0, d1) -> (0)>
module attributes {stable_mosaic.version = 14 : i64} {
  func.func @sc_loss(%arg0: i32, %arg1: i32, %arg2: memref<4000x128xf32, #tpu.memory_space<hbm>>, %arg3: memref<32x4x128xi32, #tpu.memory_space<hbm>>, %arg4: memref<4000xf32, #tpu.memory_space<hbm>>, %arg5: memref<512xf32, #tpu.memory_space<hbm>>, %arg6: memref<512xi32, #tpu.memory_space<hbm>>, %arg7: memref<136x128xf32, #tpu.memory_space<vmem>>, %arg8: memref<512x128xf32, #tpu.memory_space<vmem>>, %arg9: memref<4x128xi32, #tpu.memory_space<vmem>>, %arg10: memref<136xf32, #tpu.memory_space<vmem>>, %arg11: memref<16xf32, #tpu.memory_space<vmem>>, %arg12: memref<16xi32, #tpu.memory_space<vmem>>, %arg13: memref<!tpu.dma_semaphore, #tpu.memory_space<semaphore_mem>>) attributes {dimension_semantics = [#tpu.dimension_semantics<core_parallel>, #tpu.dimension_semantics<subcore_parallel>], iteration_bounds = array<i64: 2, 16>, scalar_prefetch = 0 : i64, scratch_operands = 7 : i64, tpu.core_type = #tpu.core_type<sc_vector_subcore>, window_params = [{transform_indices = #map}, {transform_indices = #map1}, {transform_indices = #map2}, {transform_indices = #map2}, {transform_indices = #map2}]} {
    %mul3A = arith.constant 2 : i32
    %mul3A_0 = arith.muli %arg1, %mul3A : i32
    %add3A = arith.addi %mul3A_0, %arg0 : i32
    %mul3A_1 = arith.constant 125 : i32
    %mul3A_2 = arith.muli %add3A, %mul3A_1 : i32
    %jit3A = arith.constant 8 : i32
    %div3A = arith.divsi %mul3A_2, %jit3A : i32
    %sign3A = arith.constant 0 : i32
    %sign3A_3 = arith.cmpi sgt, %mul3A_2, %sign3A : i32
    %sign3A_4 = arith.extui %sign3A_3 : i1 to i32
    %sign3A_5 = arith.constant 0 : i32
    %sign3A_6 = arith.cmpi slt, %mul3A_2, %sign3A_5 : i32
    %sign3A_7 = arith.extui %sign3A_6 : i1 to i32
    %sign3A_8 = arith.subi %sign3A_4, %sign3A_7 : i32
    %sign3A_9 = arith.constant 0 : i32
    %sign3A_10 = arith.cmpi sgt, %jit3A, %sign3A_9 : i32
    %sign3A_11 = arith.extui %sign3A_10 : i1 to i32
    %sign3A_12 = arith.constant 0 : i32
    %sign3A_13 = arith.cmpi slt, %jit3A, %sign3A_12 : i32
    %sign3A_14 = arith.extui %sign3A_13 : i1 to i32
    %sign3A_15 = arith.subi %sign3A_11, %sign3A_14 : i32
    %ne3A = arith.cmpi ne, %sign3A_8, %sign3A_15 : i32
    %rem3A = arith.remsi %mul3A_2, %jit3A : i32
    %ne3A_16 = arith.constant 0 : i32
    %ne3A_17 = arith.cmpi ne, %rem3A, %ne3A_16 : i32
    %and3A = arith.andi %ne3A, %ne3A_17 : i1
    %sub3A = arith.constant 1 : i32
    %sub3A_18 = arith.subi %div3A, %sub3A : i32
    %select_n3A = arith.select %and3A, %sub3A_18, %div3A : i32
    %mul3A_19 = arith.constant 8 : i32
    %mul3A_20 = arith.muli %select_n3A, %mul3A_19 : i32
    %min3A = arith.constant 3864 : i32
    %min3A_21 = arith.minsi %mul3A_20, %min3A : i32
    %multiple_of3A = tpu.assume_multiple %min3A_21, 8 : i32
    %sub3A_22 = arith.subi %mul3A_2, %multiple_of3A : i32
    "tpu.region"() ({
      %run_scoped3A = tpu.sem_alloc : memref<!tpu.dma_semaphore, #tpu.memory_space<semaphore_mem>>
      %dma_start3A_114 = arith.constant 0 : i32
      %dma_start3A_115 = arith.constant 0 : i32
      %dma_start3A_116 = tpu.memref_slice %arg3[%add3A, %dma_start3A_114, %dma_start3A_115] : memref<32x4x128xi32, #tpu.memory_space<hbm>> -> memref<1x4x128xi32, #tpu.memory_space<hbm>>
      %dma_start3A_117 = tpu.memref_squeeze %dma_start3A_116 : memref<1x4x128xi32, #tpu.memory_space<hbm>> -> memref<4x128xi32, #tpu.memory_space<hbm>>
      %dma_start3A_118 = arith.constant 0 : i32
      %dma_start3A_119 = arith.constant 0 : i32
      %dma_start3A_120 = tpu.memref_slice %arg3[%add3A, %dma_start3A_118, %dma_start3A_119] : memref<32x4x128xi32, #tpu.memory_space<hbm>> -> memref<1x4x128xi32, #tpu.memory_space<hbm>>
      %dma_start3A_121 = tpu.memref_squeeze %dma_start3A_120 : memref<1x4x128xi32, #tpu.memory_space<hbm>> -> memref<4x128xi32, #tpu.memory_space<hbm>>
      tpu.enqueue_dma source(%dma_start3A_121 : memref<4x128xi32, #tpu.memory_space<hbm>>) target(%arg9 : memref<4x128xi32, #tpu.memory_space<vmem>>) target_semaphore(%run_scoped3A : memref<!tpu.dma_semaphore, #tpu.memory_space<semaphore_mem>>)
      %dma_wait3A_122 = arith.constant 0 : i32
      %dma_wait3A_123 = arith.constant 0 : i32
      %dma_wait3A_124 = tpu.memref_slice %arg3[%add3A, %dma_wait3A_122, %dma_wait3A_123] : memref<32x4x128xi32, #tpu.memory_space<hbm>> -> memref<1x4x128xi32, #tpu.memory_space<hbm>>
      %dma_wait3A_125 = tpu.memref_squeeze %dma_wait3A_124 : memref<1x4x128xi32, #tpu.memory_space<hbm>> -> memref<4x128xi32, #tpu.memory_space<hbm>>
      %dma_wait3A_126 = arith.constant 0 : i32
      %dma_wait3A_127 = arith.constant 0 : i32
      %dma_wait3A_128 = tpu.memref_slice %arg3[%add3A, %dma_wait3A_126, %dma_wait3A_127] : memref<32x4x128xi32, #tpu.memory_space<hbm>> -> memref<1x4x128xi32, #tpu.memory_space<hbm>>
      %dma_wait3A_129 = tpu.memref_squeeze %dma_wait3A_128 : memref<1x4x128xi32, #tpu.memory_space<hbm>> -> memref<4x128xi32, #tpu.memory_space<hbm>>
      tpu.wait_dma2 semaphore(%run_scoped3A : memref<!tpu.dma_semaphore, #tpu.memory_space<semaphore_mem>>) src(%dma_wait3A_129 : memref<4x128xi32, #tpu.memory_space<hbm>>) dst(%arg9 : memref<4x128xi32, #tpu.memory_space<vmem>>)
      tpu.yield
    }) : () -> ()
    %dma_start3A = arith.constant 0 : i32
    %dma_start3A_23 = arith.constant 0 : i32
    %dma_start3A_24 = arith.constant 0 : i32
    %dma_start3A_25 = tpu.memref_slice %arg8[%dma_start3A_23, %dma_start3A_24] : memref<512x128xf32, #tpu.memory_space<vmem>> -> memref<128x128xf32, #tpu.memory_space<vmem>>
    %dma_start3A_26 = arith.constant 0 : i32
    %dma_start3A_27 = tpu.memref_slice %arg9[%dma_start3A, %dma_start3A_26] : memref<4x128xi32, #tpu.memory_space<vmem>> -> memref<1x128xi32, #tpu.memory_space<vmem>>
    %dma_start3A_28 = tpu.memref_squeeze %dma_start3A_27 : memref<1x128xi32, #tpu.memory_space<vmem>> -> memref<128xi32, #tpu.memory_space<vmem>>
    %dma_start3A_29 = arith.constant 0 : i32
    %dma_start3A_30 = arith.constant 0 : i32
    %dma_start3A_31 = tpu.memref_slice %arg2[%dma_start3A_29, %dma_start3A_30] : memref<4000x128xf32, #tpu.memory_space<hbm>> -> memref<4000x128xf32, #tpu.memory_space<hbm>>
    tpu.enqueue_indirect_dma source(%dma_start3A_31 : memref<4000x128xf32, #tpu.memory_space<hbm>>) target(%dma_start3A_25 : memref<128x128xf32, #tpu.memory_space<vmem>>) offsets(%dma_start3A_28 : memref<128xi32, #tpu.memory_space<vmem>>) semaphore(%arg13 : memref<!tpu.dma_semaphore, #tpu.memory_space<semaphore_mem>>)
    %dma_start3A_32 = arith.constant 1 : i32
    %dma_start3A_33 = arith.constant 128 : i32
    %dma_start3A_34 = arith.constant 0 : i32
    %dma_start3A_35 = tpu.memref_slice %arg8[%dma_start3A_33, %dma_start3A_34] : memref<512x128xf32, #tpu.memory_space<vmem>> -> memref<128x128xf32, #tpu.memory_space<vmem>>
    %dma_start3A_36 = arith.constant 0 : i32
    %dma_start3A_37 = tpu.memref_slice %arg9[%dma_start3A_32, %dma_start3A_36] : memref<4x128xi32, #tpu.memory_space<vmem>> -> memref<1x128xi32, #tpu.memory_space<vmem>>
    %dma_start3A_38 = tpu.memref_squeeze %dma_start3A_37 : memref<1x128xi32, #tpu.memory_space<vmem>> -> memref<128xi32, #tpu.memory_space<vmem>>
    %dma_start3A_39 = arith.constant 0 : i32
    %dma_start3A_40 = arith.constant 0 : i32
    %dma_start3A_41 = tpu.memref_slice %arg2[%dma_start3A_39, %dma_start3A_40] : memref<4000x128xf32, #tpu.memory_space<hbm>> -> memref<4000x128xf32, #tpu.memory_space<hbm>>
    tpu.enqueue_indirect_dma source(%dma_start3A_41 : memref<4000x128xf32, #tpu.memory_space<hbm>>) target(%dma_start3A_35 : memref<128x128xf32, #tpu.memory_space<vmem>>) offsets(%dma_start3A_38 : memref<128xi32, #tpu.memory_space<vmem>>) semaphore(%arg13 : memref<!tpu.dma_semaphore, #tpu.memory_space<semaphore_mem>>)
    %dma_start3A_42 = arith.constant 2 : i32
    %dma_start3A_43 = arith.constant 256 : i32
    %dma_start3A_44 = arith.constant 0 : i32
    %dma_start3A_45 = tpu.memref_slice %arg8[%dma_start3A_43, %dma_start3A_44] : memref<512x128xf32, #tpu.memory_space<vmem>> -> memref<128x128xf32, #tpu.memory_space<vmem>>
    %dma_start3A_46 = arith.constant 0 : i32
    %dma_start3A_47 = tpu.memref_slice %arg9[%dma_start3A_42, %dma_start3A_46] : memref<4x128xi32, #tpu.memory_space<vmem>> -> memref<1x128xi32, #tpu.memory_space<vmem>>
    %dma_start3A_48 = tpu.memref_squeeze %dma_start3A_47 : memref<1x128xi32, #tpu.memory_space<vmem>> -> memref<128xi32, #tpu.memory_space<vmem>>
    %dma_start3A_49 = arith.constant 0 : i32
    %dma_start3A_50 = arith.constant 0 : i32
    %dma_start3A_51 = tpu.memref_slice %arg2[%dma_start3A_49, %dma_start3A_50] : memref<4000x128xf32, #tpu.memory_space<hbm>> -> memref<4000x128xf32, #tpu.memory_space<hbm>>
    tpu.enqueue_indirect_dma source(%dma_start3A_51 : memref<4000x128xf32, #tpu.memory_space<hbm>>) target(%dma_start3A_45 : memref<128x128xf32, #tpu.memory_space<vmem>>) offsets(%dma_start3A_48 : memref<128xi32, #tpu.memory_space<vmem>>) semaphore(%arg13 : memref<!tpu.dma_semaphore, #tpu.memory_space<semaphore_mem>>)
    %dma_start3A_52 = arith.constant 3 : i32
    %dma_start3A_53 = arith.constant 384 : i32
    %dma_start3A_54 = arith.constant 0 : i32
    %dma_start3A_55 = tpu.memref_slice %arg8[%dma_start3A_53, %dma_start3A_54] : memref<512x128xf32, #tpu.memory_space<vmem>> -> memref<128x128xf32, #tpu.memory_space<vmem>>
    %dma_start3A_56 = arith.constant 0 : i32
    %dma_start3A_57 = tpu.memref_slice %arg9[%dma_start3A_52, %dma_start3A_56] : memref<4x128xi32, #tpu.memory_space<vmem>> -> memref<1x128xi32, #tpu.memory_space<vmem>>
    %dma_start3A_58 = tpu.memref_squeeze %dma_start3A_57 : memref<1x128xi32, #tpu.memory_space<vmem>> -> memref<128xi32, #tpu.memory_space<vmem>>
    %dma_start3A_59 = arith.constant 0 : i32
    %dma_start3A_60 = arith.constant 0 : i32
    %dma_start3A_61 = tpu.memref_slice %arg2[%dma_start3A_59, %dma_start3A_60] : memref<4000x128xf32, #tpu.memory_space<hbm>> -> memref<4000x128xf32, #tpu.memory_space<hbm>>
    tpu.enqueue_indirect_dma source(%dma_start3A_61 : memref<4000x128xf32, #tpu.memory_space<hbm>>) target(%dma_start3A_55 : memref<128x128xf32, #tpu.memory_space<vmem>>) offsets(%dma_start3A_58 : memref<128xi32, #tpu.memory_space<vmem>>) semaphore(%arg13 : memref<!tpu.dma_semaphore, #tpu.memory_space<semaphore_mem>>)
    "tpu.region"() ({
      %run_scoped3A = tpu.sem_alloc : memref<!tpu.dma_semaphore, #tpu.memory_space<semaphore_mem>>
      %dma_start3A_114 = arith.constant 0 : i32
      %dma_start3A_115 = tpu.memref_slice %arg2[%multiple_of3A, %dma_start3A_114] : memref<4000x128xf32, #tpu.memory_space<hbm>> -> memref<136x128xf32, #tpu.memory_space<hbm>>
      %dma_start3A_116 = arith.constant 0 : i32
      %dma_start3A_117 = tpu.memref_slice %arg2[%multiple_of3A, %dma_start3A_116] : memref<4000x128xf32, #tpu.memory_space<hbm>> -> memref<136x128xf32, #tpu.memory_space<hbm>>
      tpu.enqueue_dma source(%dma_start3A_117 : memref<136x128xf32, #tpu.memory_space<hbm>>) target(%arg7 : memref<136x128xf32, #tpu.memory_space<vmem>>) target_semaphore(%run_scoped3A : memref<!tpu.dma_semaphore, #tpu.memory_space<semaphore_mem>>)
      %dma_wait3A_118 = arith.constant 0 : i32
      %dma_wait3A_119 = tpu.memref_slice %arg2[%multiple_of3A, %dma_wait3A_118] : memref<4000x128xf32, #tpu.memory_space<hbm>> -> memref<136x128xf32, #tpu.memory_space<hbm>>
      %dma_wait3A_120 = arith.constant 0 : i32
      %dma_wait3A_121 = tpu.memref_slice %arg2[%multiple_of3A, %dma_wait3A_120] : memref<4000x128xf32, #tpu.memory_space<hbm>> -> memref<136x128xf32, #tpu.memory_space<hbm>>
      tpu.wait_dma2 semaphore(%run_scoped3A : memref<!tpu.dma_semaphore, #tpu.memory_space<semaphore_mem>>) src(%dma_wait3A_121 : memref<136x128xf32, #tpu.memory_space<hbm>>) dst(%arg7 : memref<136x128xf32, #tpu.memory_space<vmem>>)
      tpu.yield
    }) : () -> ()
    "tpu.region"() ({
      %run_scoped3A = tpu.sem_alloc : memref<!tpu.dma_semaphore, #tpu.memory_space<semaphore_mem>>
      %dma_start3A_114 = tpu.memref_slice %arg4[%multiple_of3A] : memref<4000xf32, #tpu.memory_space<hbm>> -> memref<136xf32, #tpu.memory_space<hbm>>
      %dma_start3A_115 = tpu.memref_slice %arg4[%multiple_of3A] : memref<4000xf32, #tpu.memory_space<hbm>> -> memref<136xf32, #tpu.memory_space<hbm>>
      tpu.enqueue_dma source(%dma_start3A_115 : memref<136xf32, #tpu.memory_space<hbm>>) target(%arg10 : memref<136xf32, #tpu.memory_space<vmem>>) target_semaphore(%run_scoped3A : memref<!tpu.dma_semaphore, #tpu.memory_space<semaphore_mem>>)
      %dma_wait3A_116 = tpu.memref_slice %arg4[%multiple_of3A] : memref<4000xf32, #tpu.memory_space<hbm>> -> memref<136xf32, #tpu.memory_space<hbm>>
      %dma_wait3A_117 = tpu.memref_slice %arg4[%multiple_of3A] : memref<4000xf32, #tpu.memory_space<hbm>> -> memref<136xf32, #tpu.memory_space<hbm>>
      tpu.wait_dma2 semaphore(%run_scoped3A : memref<!tpu.dma_semaphore, #tpu.memory_space<semaphore_mem>>) src(%dma_wait3A_117 : memref<136xf32, #tpu.memory_space<hbm>>) dst(%arg10 : memref<136xf32, #tpu.memory_space<vmem>>)
      tpu.yield
    }) : () -> ()
    %dma_wait3A = arith.constant 0 : i32
    %dma_wait3A_62 = arith.constant 0 : i32
    %dma_wait3A_63 = arith.constant 0 : i32
    %dma_wait3A_64 = tpu.memref_slice %arg8[%dma_wait3A_62, %dma_wait3A_63] : memref<512x128xf32, #tpu.memory_space<vmem>> -> memref<128x128xf32, #tpu.memory_space<vmem>>
    %dma_wait3A_65 = arith.constant 0 : i32
    %dma_wait3A_66 = tpu.memref_slice %arg9[%dma_wait3A, %dma_wait3A_65] : memref<4x128xi32, #tpu.memory_space<vmem>> -> memref<1x128xi32, #tpu.memory_space<vmem>>
    %dma_wait3A_67 = tpu.memref_squeeze %dma_wait3A_66 : memref<1x128xi32, #tpu.memory_space<vmem>> -> memref<128xi32, #tpu.memory_space<vmem>>
    %dma_wait3A_68 = arith.constant 0 : i32
    %dma_wait3A_69 = arith.constant 0 : i32
    %dma_wait3A_70 = tpu.memref_slice %arg2[%dma_wait3A_68, %dma_wait3A_69] : memref<4000x128xf32, #tpu.memory_space<hbm>> -> memref<4000x128xf32, #tpu.memory_space<hbm>>
    tpu.wait_indirect_dma semaphore(%arg13 : memref<!tpu.dma_semaphore, #tpu.memory_space<semaphore_mem>>) src(%dma_wait3A_70 : memref<4000x128xf32, #tpu.memory_space<hbm>>) dst(%dma_wait3A_64 : memref<128x128xf32, #tpu.memory_space<vmem>>)
    %dma_wait3A_71 = arith.constant 1 : i32
    %dma_wait3A_72 = arith.constant 128 : i32
    %dma_wait3A_73 = arith.constant 0 : i32
    %dma_wait3A_74 = tpu.memref_slice %arg8[%dma_wait3A_72, %dma_wait3A_73] : memref<512x128xf32, #tpu.memory_space<vmem>> -> memref<128x128xf32, #tpu.memory_space<vmem>>
    %dma_wait3A_75 = arith.constant 0 : i32
    %dma_wait3A_76 = tpu.memref_slice %arg9[%dma_wait3A_71, %dma_wait3A_75] : memref<4x128xi32, #tpu.memory_space<vmem>> -> memref<1x128xi32, #tpu.memory_space<vmem>>
    %dma_wait3A_77 = tpu.memref_squeeze %dma_wait3A_76 : memref<1x128xi32, #tpu.memory_space<vmem>> -> memref<128xi32, #tpu.memory_space<vmem>>
    %dma_wait3A_78 = arith.constant 0 : i32
    %dma_wait3A_79 = arith.constant 0 : i32
    %dma_wait3A_80 = tpu.memref_slice %arg2[%dma_wait3A_78, %dma_wait3A_79] : memref<4000x128xf32, #tpu.memory_space<hbm>> -> memref<4000x128xf32, #tpu.memory_space<hbm>>
    tpu.wait_indirect_dma semaphore(%arg13 : memref<!tpu.dma_semaphore, #tpu.memory_space<semaphore_mem>>) src(%dma_wait3A_80 : memref<4000x128xf32, #tpu.memory_space<hbm>>) dst(%dma_wait3A_74 : memref<128x128xf32, #tpu.memory_space<vmem>>)
    %dma_wait3A_81 = arith.constant 2 : i32
    %dma_wait3A_82 = arith.constant 256 : i32
    %dma_wait3A_83 = arith.constant 0 : i32
    %dma_wait3A_84 = tpu.memref_slice %arg8[%dma_wait3A_82, %dma_wait3A_83] : memref<512x128xf32, #tpu.memory_space<vmem>> -> memref<128x128xf32, #tpu.memory_space<vmem>>
    %dma_wait3A_85 = arith.constant 0 : i32
    %dma_wait3A_86 = tpu.memref_slice %arg9[%dma_wait3A_81, %dma_wait3A_85] : memref<4x128xi32, #tpu.memory_space<vmem>> -> memref<1x128xi32, #tpu.memory_space<vmem>>
    %dma_wait3A_87 = tpu.memref_squeeze %dma_wait3A_86 : memref<1x128xi32, #tpu.memory_space<vmem>> -> memref<128xi32, #tpu.memory_space<vmem>>
    %dma_wait3A_88 = arith.constant 0 : i32
    %dma_wait3A_89 = arith.constant 0 : i32
    %dma_wait3A_90 = tpu.memref_slice %arg2[%dma_wait3A_88, %dma_wait3A_89] : memref<4000x128xf32, #tpu.memory_space<hbm>> -> memref<4000x128xf32, #tpu.memory_space<hbm>>
    tpu.wait_indirect_dma semaphore(%arg13 : memref<!tpu.dma_semaphore, #tpu.memory_space<semaphore_mem>>) src(%dma_wait3A_90 : memref<4000x128xf32, #tpu.memory_space<hbm>>) dst(%dma_wait3A_84 : memref<128x128xf32, #tpu.memory_space<vmem>>)
    %dma_wait3A_91 = arith.constant 3 : i32
    %dma_wait3A_92 = arith.constant 384 : i32
    %dma_wait3A_93 = arith.constant 0 : i32
    %dma_wait3A_94 = tpu.memref_slice %arg8[%dma_wait3A_92, %dma_wait3A_93] : memref<512x128xf32, #tpu.memory_space<vmem>> -> memref<128x128xf32, #tpu.memory_space<vmem>>
    %dma_wait3A_95 = arith.constant 0 : i32
    %dma_wait3A_96 = tpu.memref_slice %arg9[%dma_wait3A_91, %dma_wait3A_95] : memref<4x128xi32, #tpu.memory_space<vmem>> -> memref<1x128xi32, #tpu.memory_space<vmem>>
    %dma_wait3A_97 = tpu.memref_squeeze %dma_wait3A_96 : memref<1x128xi32, #tpu.memory_space<vmem>> -> memref<128xi32, #tpu.memory_space<vmem>>
    %dma_wait3A_98 = arith.constant 0 : i32
    %dma_wait3A_99 = arith.constant 0 : i32
    %dma_wait3A_100 = tpu.memref_slice %arg2[%dma_wait3A_98, %dma_wait3A_99] : memref<4000x128xf32, #tpu.memory_space<hbm>> -> memref<4000x128xf32, #tpu.memory_space<hbm>>
    tpu.wait_indirect_dma semaphore(%arg13 : memref<!tpu.dma_semaphore, #tpu.memory_space<semaphore_mem>>) src(%dma_wait3A_100 : memref<4000x128xf32, #tpu.memory_space<hbm>>) dst(%dma_wait3A_94 : memref<128x128xf32, #tpu.memory_space<vmem>>)
    %iota3A = tpu.iota {dimensions = array<i32: 0>} : vector<16xi32>
    %broadcast_in_dim3A = arith.constant 0.000000e+00 : f32
    %broadcast_in_dim3A_101 = vector.broadcast %broadcast_in_dim3A : f32 to vector<16xf32>
    %broadcast_in_dim3A_102 = arith.constant 0 : i32
    %broadcast_in_dim3A_103 = vector.broadcast %broadcast_in_dim3A_102 : i32 to vector<16xi32>
    %parallel_loop3A = arith.constant 0 : i32
    %parallel_loop3A_104 = arith.constant 32 : i32
    %parallel_loop3A_105 = arith.constant 1 : i32
    %parallel_loop3A_106:2 = scf.for %parallel_loop3A_114 = %parallel_loop3A to %parallel_loop3A_104 step %parallel_loop3A_105 iter_args(%parallel_loop3A_115 = %broadcast_in_dim3A_101, %parallel_loop3A_116 = %broadcast_in_dim3A_103) -> (vector<16xf32>, vector<16xi32>)  : i32 {
      %parallel_loop3A_117 = arith.constant 16 : i32
      %parallel_loop3A_118 = arith.muli %parallel_loop3A_114, %parallel_loop3A_117 : i32
      %parallel_loop3A_119 = vector.broadcast %parallel_loop3A_118 : i32 to vector<16xi32>
      %parallel_loop3A_120 = arith.addi %parallel_loop3A_119, %iota3A : vector<16xi32>
      %parallel_loop3A_121 = arith.constant 2 : i32
      %parallel_loop3A_122 = vector.broadcast %parallel_loop3A_121 : i32 to vector<16xi32>
      %parallel_loop3A_123 = arith.shrui %parallel_loop3A_120, %parallel_loop3A_122 : vector<16xi32>
      %parallel_loop3A_124 = arith.constant 3 : i32
      %parallel_loop3A_125 = vector.broadcast %parallel_loop3A_124 : i32 to vector<16xi32>
      %parallel_loop3A_126 = arith.andi %parallel_loop3A_120, %parallel_loop3A_125 : vector<16xi32>
      %parallel_loop3A_127 = arith.constant 52429 : i32
      %parallel_loop3A_128 = vector.broadcast %parallel_loop3A_127 : i32 to vector<16xi32>
      %parallel_loop3A_129 = arith.muli %parallel_loop3A_123, %parallel_loop3A_128 : vector<16xi32>
      %parallel_loop3A_130 = arith.constant 18 : i32
      %parallel_loop3A_131 = vector.broadcast %parallel_loop3A_130 : i32 to vector<16xi32>
      %parallel_loop3A_132 = arith.shrui %parallel_loop3A_129, %parallel_loop3A_131 : vector<16xi32>
      %parallel_loop3A_133 = arith.constant 5 : i32
      %parallel_loop3A_134 = vector.broadcast %parallel_loop3A_133 : i32 to vector<16xi32>
      %parallel_loop3A_135 = arith.muli %parallel_loop3A_132, %parallel_loop3A_134 : vector<16xi32>
      %parallel_loop3A_136 = arith.subi %parallel_loop3A_123, %parallel_loop3A_135 : vector<16xi32>
      %parallel_loop3A_137 = arith.cmpi sge, %parallel_loop3A_126, %parallel_loop3A_136 : vector<16xi32>
      %parallel_loop3A_138 = arith.constant 1 : i32
      %parallel_loop3A_139 = vector.broadcast %parallel_loop3A_138 : i32 to vector<16xi32>
      %parallel_loop3A_140 = arith.addi %parallel_loop3A_126, %parallel_loop3A_139 : vector<16xi32>
      %parallel_loop3A_141 = arith.select %parallel_loop3A_137, %parallel_loop3A_140, %parallel_loop3A_126 : vector<16xi1>, vector<16xi32>
      %parallel_loop3A_142 = arith.constant 5 : i32
      %parallel_loop3A_143 = vector.broadcast %parallel_loop3A_142 : i32 to vector<16xi32>
      %parallel_loop3A_144 = arith.muli %parallel_loop3A_132, %parallel_loop3A_143 : vector<16xi32>
      %parallel_loop3A_145 = arith.addi %parallel_loop3A_144, %parallel_loop3A_141 : vector<16xi32>
      %parallel_loop3A_146 = vector.broadcast %sub3A_22 : i32 to vector<16xi32>
      %parallel_loop3A_147 = arith.addi %parallel_loop3A_146, %parallel_loop3A_123 : vector<16xi32>
      %parallel_loop3A_148 = tpu.vector_load_idx %arg10[%parallel_loop3A_147] : memref<136xf32, #tpu.memory_space<vmem>>[vector<16xi32>], vector<16xf32>,
      %parallel_loop3A_149 = vector.broadcast %sub3A_22 : i32 to vector<16xi32>
      %parallel_loop3A_150 = arith.addi %parallel_loop3A_149, %parallel_loop3A_123 : vector<16xi32>
      %parallel_loop3A_151 = vector.broadcast %sub3A_22 : i32 to vector<16xi32>
      %parallel_loop3A_152 = arith.addi %parallel_loop3A_151, %parallel_loop3A_145 : vector<16xi32>
      %parallel_loop3A_153 = arith.constant 0.000000e+00 : f32
      %parallel_loop3A_154 = vector.broadcast %parallel_loop3A_153 : f32 to vector<16xf32>
      %parallel_loop3A_155 = arith.constant 0 : i32
      %parallel_loop3A_156 = arith.constant 16 : i32
      %parallel_loop3A_157 = arith.constant 1 : i32
      %parallel_loop3A_158:2 = scf.for %parallel_loop3A_261 = %parallel_loop3A_155 to %parallel_loop3A_156 step %parallel_loop3A_157 iter_args(%parallel_loop3A_262 = %parallel_loop3A_154, %parallel_loop3A_263 = %parallel_loop3A_154) -> (vector<16xf32>, vector<16xf32>)  : i32 {
        %parallel_loop3A_264 = arith.constant 8 : i32
        %parallel_loop3A_265 = arith.muli %parallel_loop3A_261, %parallel_loop3A_264 : i32
        %parallel_loop3A_266 = arith.constant 0 : i32
        %parallel_loop3A_267 = arith.addi %parallel_loop3A_265, %parallel_loop3A_266 : i32
        %parallel_loop3A_268 = vector.broadcast %parallel_loop3A_267 : i32 to vector<16xi32>
        %parallel_loop3A_269 = tpu.vector_load_idx %arg7[%parallel_loop3A_150, %parallel_loop3A_268] : memref<136x128xf32, #tpu.memory_space<vmem>>[vector<16xi32>, vector<16xi32>], vector<16xf32>,
        %parallel_loop3A_270 = tpu.vector_load_idx %arg7[%parallel_loop3A_152, %parallel_loop3A_268] : memref<136x128xf32, #tpu.memory_space<vmem>>[vector<16xi32>, vector<16xi32>], vector<16xf32>,
        %parallel_loop3A_271 = tpu.vector_load_idx %arg8[%parallel_loop3A_120, %parallel_loop3A_268] : memref<512x128xf32, #tpu.memory_space<vmem>>[vector<16xi32>, vector<16xi32>], vector<16xf32>,
        %parallel_loop3A_272 = arith.subf %parallel_loop3A_269, %parallel_loop3A_270 : vector<16xf32>
        %parallel_loop3A_273 = arith.subf %parallel_loop3A_269, %parallel_loop3A_270 : vector<16xf32>
        %parallel_loop3A_274 = arith.mulf %parallel_loop3A_272, %parallel_loop3A_273 : vector<16xf32>
        %parallel_loop3A_275 = arith.addf %parallel_loop3A_262, %parallel_loop3A_274 : vector<16xf32>
        %parallel_loop3A_276 = arith.subf %parallel_loop3A_269, %parallel_loop3A_271 : vector<16xf32>
        %parallel_loop3A_277 = arith.subf %parallel_loop3A_269, %parallel_loop3A_271 : vector<16xf32>
        %parallel_loop3A_278 = arith.mulf %parallel_loop3A_276, %parallel_loop3A_277 : vector<16xf32>
        %parallel_loop3A_279 = arith.addf %parallel_loop3A_263, %parallel_loop3A_278 : vector<16xf32>
        %parallel_loop3A_280 = arith.constant 8 : i32
        %parallel_loop3A_281 = arith.muli %parallel_loop3A_261, %parallel_loop3A_280 : i32
        %parallel_loop3A_282 = arith.constant 1 : i32
        %parallel_loop3A_283 = arith.addi %parallel_loop3A_281, %parallel_loop3A_282 : i32
        %parallel_loop3A_284 = vector.broadcast %parallel_loop3A_283 : i32 to vector<16xi32>
        %parallel_loop3A_285 = tpu.vector_load_idx %arg7[%parallel_loop3A_150, %parallel_loop3A_284] : memref<136x128xf32, #tpu.memory_space<vmem>>[vector<16xi32>, vector<16xi32>], vector<16xf32>,
        %parallel_loop3A_286 = tpu.vector_load_idx %arg7[%parallel_loop3A_152, %parallel_loop3A_284] : memref<136x128xf32, #tpu.memory_space<vmem>>[vector<16xi32>, vector<16xi32>], vector<16xf32>,
        %parallel_loop3A_287 = tpu.vector_load_idx %arg8[%parallel_loop3A_120, %parallel_loop3A_284] : memref<512x128xf32, #tpu.memory_space<vmem>>[vector<16xi32>, vector<16xi32>], vector<16xf32>,
        %parallel_loop3A_288 = arith.subf %parallel_loop3A_285, %parallel_loop3A_286 : vector<16xf32>
        %parallel_loop3A_289 = arith.subf %parallel_loop3A_285, %parallel_loop3A_286 : vector<16xf32>
        %parallel_loop3A_290 = arith.mulf %parallel_loop3A_288, %parallel_loop3A_289 : vector<16xf32>
        %parallel_loop3A_291 = arith.addf %parallel_loop3A_275, %parallel_loop3A_290 : vector<16xf32>
        %parallel_loop3A_292 = arith.subf %parallel_loop3A_285, %parallel_loop3A_287 : vector<16xf32>
        %parallel_loop3A_293 = arith.subf %parallel_loop3A_285, %parallel_loop3A_287 : vector<16xf32>
        %parallel_loop3A_294 = arith.mulf %parallel_loop3A_292, %parallel_loop3A_293 : vector<16xf32>
        %parallel_loop3A_295 = arith.addf %parallel_loop3A_279, %parallel_loop3A_294 : vector<16xf32>
        %parallel_loop3A_296 = arith.constant 8 : i32
        %parallel_loop3A_297 = arith.muli %parallel_loop3A_261, %parallel_loop3A_296 : i32
        %parallel_loop3A_298 = arith.constant 2 : i32
        %parallel_loop3A_299 = arith.addi %parallel_loop3A_297, %parallel_loop3A_298 : i32
        %parallel_loop3A_300 = vector.broadcast %parallel_loop3A_299 : i32 to vector<16xi32>
        %parallel_loop3A_301 = tpu.vector_load_idx %arg7[%parallel_loop3A_150, %parallel_loop3A_300] : memref<136x128xf32, #tpu.memory_space<vmem>>[vector<16xi32>, vector<16xi32>], vector<16xf32>,
        %parallel_loop3A_302 = tpu.vector_load_idx %arg7[%parallel_loop3A_152, %parallel_loop3A_300] : memref<136x128xf32, #tpu.memory_space<vmem>>[vector<16xi32>, vector<16xi32>], vector<16xf32>,
        %parallel_loop3A_303 = tpu.vector_load_idx %arg8[%parallel_loop3A_120, %parallel_loop3A_300] : memref<512x128xf32, #tpu.memory_space<vmem>>[vector<16xi32>, vector<16xi32>], vector<16xf32>,
        %parallel_loop3A_304 = arith.subf %parallel_loop3A_301, %parallel_loop3A_302 : vector<16xf32>
        %parallel_loop3A_305 = arith.subf %parallel_loop3A_301, %parallel_loop3A_302 : vector<16xf32>
        %parallel_loop3A_306 = arith.mulf %parallel_loop3A_304, %parallel_loop3A_305 : vector<16xf32>
        %parallel_loop3A_307 = arith.addf %parallel_loop3A_291, %parallel_loop3A_306 : vector<16xf32>
        %parallel_loop3A_308 = arith.subf %parallel_loop3A_301, %parallel_loop3A_303 : vector<16xf32>
        %parallel_loop3A_309 = arith.subf %parallel_loop3A_301, %parallel_loop3A_303 : vector<16xf32>
        %parallel_loop3A_310 = arith.mulf %parallel_loop3A_308, %parallel_loop3A_309 : vector<16xf32>
        %parallel_loop3A_311 = arith.addf %parallel_loop3A_295, %parallel_loop3A_310 : vector<16xf32>
        %parallel_loop3A_312 = arith.constant 8 : i32
        %parallel_loop3A_313 = arith.muli %parallel_loop3A_261, %parallel_loop3A_312 : i32
        %parallel_loop3A_314 = arith.constant 3 : i32
        %parallel_loop3A_315 = arith.addi %parallel_loop3A_313, %parallel_loop3A_314 : i32
        %parallel_loop3A_316 = vector.broadcast %parallel_loop3A_315 : i32 to vector<16xi32>
        %parallel_loop3A_317 = tpu.vector_load_idx %arg7[%parallel_loop3A_150, %parallel_loop3A_316] : memref<136x128xf32, #tpu.memory_space<vmem>>[vector<16xi32>, vector<16xi32>], vector<16xf32>,
        %parallel_loop3A_318 = tpu.vector_load_idx %arg7[%parallel_loop3A_152, %parallel_loop3A_316] : memref<136x128xf32, #tpu.memory_space<vmem>>[vector<16xi32>, vector<16xi32>], vector<16xf32>,
        %parallel_loop3A_319 = tpu.vector_load_idx %arg8[%parallel_loop3A_120, %parallel_loop3A_316] : memref<512x128xf32, #tpu.memory_space<vmem>>[vector<16xi32>, vector<16xi32>], vector<16xf32>,
        %parallel_loop3A_320 = arith.subf %parallel_loop3A_317, %parallel_loop3A_318 : vector<16xf32>
        %parallel_loop3A_321 = arith.subf %parallel_loop3A_317, %parallel_loop3A_318 : vector<16xf32>
        %parallel_loop3A_322 = arith.mulf %parallel_loop3A_320, %parallel_loop3A_321 : vector<16xf32>
        %parallel_loop3A_323 = arith.addf %parallel_loop3A_307, %parallel_loop3A_322 : vector<16xf32>
        %parallel_loop3A_324 = arith.subf %parallel_loop3A_317, %parallel_loop3A_319 : vector<16xf32>
        %parallel_loop3A_325 = arith.subf %parallel_loop3A_317, %parallel_loop3A_319 : vector<16xf32>
        %parallel_loop3A_326 = arith.mulf %parallel_loop3A_324, %parallel_loop3A_325 : vector<16xf32>
        %parallel_loop3A_327 = arith.addf %parallel_loop3A_311, %parallel_loop3A_326 : vector<16xf32>
        %parallel_loop3A_328 = arith.constant 8 : i32
        %parallel_loop3A_329 = arith.muli %parallel_loop3A_261, %parallel_loop3A_328 : i32
        %parallel_loop3A_330 = arith.constant 4 : i32
        %parallel_loop3A_331 = arith.addi %parallel_loop3A_329, %parallel_loop3A_330 : i32
        %parallel_loop3A_332 = vector.broadcast %parallel_loop3A_331 : i32 to vector<16xi32>
        %parallel_loop3A_333 = tpu.vector_load_idx %arg7[%parallel_loop3A_150, %parallel_loop3A_332] : memref<136x128xf32, #tpu.memory_space<vmem>>[vector<16xi32>, vector<16xi32>], vector<16xf32>,
        %parallel_loop3A_334 = tpu.vector_load_idx %arg7[%parallel_loop3A_152, %parallel_loop3A_332] : memref<136x128xf32, #tpu.memory_space<vmem>>[vector<16xi32>, vector<16xi32>], vector<16xf32>,
        %parallel_loop3A_335 = tpu.vector_load_idx %arg8[%parallel_loop3A_120, %parallel_loop3A_332] : memref<512x128xf32, #tpu.memory_space<vmem>>[vector<16xi32>, vector<16xi32>], vector<16xf32>,
        %parallel_loop3A_336 = arith.subf %parallel_loop3A_333, %parallel_loop3A_334 : vector<16xf32>
        %parallel_loop3A_337 = arith.subf %parallel_loop3A_333, %parallel_loop3A_334 : vector<16xf32>
        %parallel_loop3A_338 = arith.mulf %parallel_loop3A_336, %parallel_loop3A_337 : vector<16xf32>
        %parallel_loop3A_339 = arith.addf %parallel_loop3A_323, %parallel_loop3A_338 : vector<16xf32>
        %parallel_loop3A_340 = arith.subf %parallel_loop3A_333, %parallel_loop3A_335 : vector<16xf32>
        %parallel_loop3A_341 = arith.subf %parallel_loop3A_333, %parallel_loop3A_335 : vector<16xf32>
        %parallel_loop3A_342 = arith.mulf %parallel_loop3A_340, %parallel_loop3A_341 : vector<16xf32>
        %parallel_loop3A_343 = arith.addf %parallel_loop3A_327, %parallel_loop3A_342 : vector<16xf32>
        %parallel_loop3A_344 = arith.constant 8 : i32
        %parallel_loop3A_345 = arith.muli %parallel_loop3A_261, %parallel_loop3A_344 : i32
        %parallel_loop3A_346 = arith.constant 5 : i32
        %parallel_loop3A_347 = arith.addi %parallel_loop3A_345, %parallel_loop3A_346 : i32
        %parallel_loop3A_348 = vector.broadcast %parallel_loop3A_347 : i32 to vector<16xi32>
        %parallel_loop3A_349 = tpu.vector_load_idx %arg7[%parallel_loop3A_150, %parallel_loop3A_348] : memref<136x128xf32, #tpu.memory_space<vmem>>[vector<16xi32>, vector<16xi32>], vector<16xf32>,
        %parallel_loop3A_350 = tpu.vector_load_idx %arg7[%parallel_loop3A_152, %parallel_loop3A_348] : memref<136x128xf32, #tpu.memory_space<vmem>>[vector<16xi32>, vector<16xi32>], vector<16xf32>,
        %parallel_loop3A_351 = tpu.vector_load_idx %arg8[%parallel_loop3A_120, %parallel_loop3A_348] : memref<512x128xf32, #tpu.memory_space<vmem>>[vector<16xi32>, vector<16xi32>], vector<16xf32>,
        %parallel_loop3A_352 = arith.subf %parallel_loop3A_349, %parallel_loop3A_350 : vector<16xf32>
        %parallel_loop3A_353 = arith.subf %parallel_loop3A_349, %parallel_loop3A_350 : vector<16xf32>
        %parallel_loop3A_354 = arith.mulf %parallel_loop3A_352, %parallel_loop3A_353 : vector<16xf32>
        %parallel_loop3A_355 = arith.addf %parallel_loop3A_339, %parallel_loop3A_354 : vector<16xf32>
        %parallel_loop3A_356 = arith.subf %parallel_loop3A_349, %parallel_loop3A_351 : vector<16xf32>
        %parallel_loop3A_357 = arith.subf %parallel_loop3A_349, %parallel_loop3A_351 : vector<16xf32>
        %parallel_loop3A_358 = arith.mulf %parallel_loop3A_356, %parallel_loop3A_357 : vector<16xf32>
        %parallel_loop3A_359 = arith.addf %parallel_loop3A_343, %parallel_loop3A_358 : vector<16xf32>
        %parallel_loop3A_360 = arith.constant 8 : i32
        %parallel_loop3A_361 = arith.muli %parallel_loop3A_261, %parallel_loop3A_360 : i32
        %parallel_loop3A_362 = arith.constant 6 : i32
        %parallel_loop3A_363 = arith.addi %parallel_loop3A_361, %parallel_loop3A_362 : i32
        %parallel_loop3A_364 = vector.broadcast %parallel_loop3A_363 : i32 to vector<16xi32>
        %parallel_loop3A_365 = tpu.vector_load_idx %arg7[%parallel_loop3A_150, %parallel_loop3A_364] : memref<136x128xf32, #tpu.memory_space<vmem>>[vector<16xi32>, vector<16xi32>], vector<16xf32>,
        %parallel_loop3A_366 = tpu.vector_load_idx %arg7[%parallel_loop3A_152, %parallel_loop3A_364] : memref<136x128xf32, #tpu.memory_space<vmem>>[vector<16xi32>, vector<16xi32>], vector<16xf32>,
        %parallel_loop3A_367 = tpu.vector_load_idx %arg8[%parallel_loop3A_120, %parallel_loop3A_364] : memref<512x128xf32, #tpu.memory_space<vmem>>[vector<16xi32>, vector<16xi32>], vector<16xf32>,
        %parallel_loop3A_368 = arith.subf %parallel_loop3A_365, %parallel_loop3A_366 : vector<16xf32>
        %parallel_loop3A_369 = arith.subf %parallel_loop3A_365, %parallel_loop3A_366 : vector<16xf32>
        %parallel_loop3A_370 = arith.mulf %parallel_loop3A_368, %parallel_loop3A_369 : vector<16xf32>
        %parallel_loop3A_371 = arith.addf %parallel_loop3A_355, %parallel_loop3A_370 : vector<16xf32>
        %parallel_loop3A_372 = arith.subf %parallel_loop3A_365, %parallel_loop3A_367 : vector<16xf32>
        %parallel_loop3A_373 = arith.subf %parallel_loop3A_365, %parallel_loop3A_367 : vector<16xf32>
        %parallel_loop3A_374 = arith.mulf %parallel_loop3A_372, %parallel_loop3A_373 : vector<16xf32>
        %parallel_loop3A_375 = arith.addf %parallel_loop3A_359, %parallel_loop3A_374 : vector<16xf32>
        %parallel_loop3A_376 = arith.constant 8 : i32
        %parallel_loop3A_377 = arith.muli %parallel_loop3A_261, %parallel_loop3A_376 : i32
        %parallel_loop3A_378 = arith.constant 7 : i32
        %parallel_loop3A_379 = arith.addi %parallel_loop3A_377, %parallel_loop3A_378 : i32
        %parallel_loop3A_380 = vector.broadcast %parallel_loop3A_379 : i32 to vector<16xi32>
        %parallel_loop3A_381 = tpu.vector_load_idx %arg7[%parallel_loop3A_150, %parallel_loop3A_380] : memref<136x128xf32, #tpu.memory_space<vmem>>[vector<16xi32>, vector<16xi32>], vector<16xf32>,
        %parallel_loop3A_382 = tpu.vector_load_idx %arg7[%parallel_loop3A_152, %parallel_loop3A_380] : memref<136x128xf32, #tpu.memory_space<vmem>>[vector<16xi32>, vector<16xi32>], vector<16xf32>,
        %parallel_loop3A_383 = tpu.vector_load_idx %arg8[%parallel_loop3A_120, %parallel_loop3A_380] : memref<512x128xf32, #tpu.memory_space<vmem>>[vector<16xi32>, vector<16xi32>], vector<16xf32>,
        %parallel_loop3A_384 = arith.subf %parallel_loop3A_381, %parallel_loop3A_382 : vector<16xf32>
        %parallel_loop3A_385 = arith.subf %parallel_loop3A_381, %parallel_loop3A_382 : vector<16xf32>
        %parallel_loop3A_386 = arith.mulf %parallel_loop3A_384, %parallel_loop3A_385 : vector<16xf32>
        %parallel_loop3A_387 = arith.addf %parallel_loop3A_371, %parallel_loop3A_386 : vector<16xf32>
        %parallel_loop3A_388 = arith.subf %parallel_loop3A_381, %parallel_loop3A_383 : vector<16xf32>
        %parallel_loop3A_389 = arith.subf %parallel_loop3A_381, %parallel_loop3A_383 : vector<16xf32>
        %parallel_loop3A_390 = arith.mulf %parallel_loop3A_388, %parallel_loop3A_389 : vector<16xf32>
        %parallel_loop3A_391 = arith.addf %parallel_loop3A_375, %parallel_loop3A_390 : vector<16xf32>
        scf.yield %parallel_loop3A_387, %parallel_loop3A_391 : vector<16xf32>, vector<16xf32>
      } {sc.loop_unroll_factor = 1 : i64, sc.parallel_access}
      %parallel_loop3A_159 = arith.constant 9.99999993E-9 : f32
      %parallel_loop3A_160 = vector.broadcast %parallel_loop3A_159 : f32 to vector<16xf32>
      %parallel_loop3A_161 = arith.addf %parallel_loop3A_158#0, %parallel_loop3A_160 : vector<16xf32>
      %parallel_loop3A_162 = vector.bitcast %parallel_loop3A_161 : vector<16xf32> to vector<16xi32>
      %parallel_loop3A_163 = arith.constant 1 : i32
      %parallel_loop3A_164 = vector.broadcast %parallel_loop3A_163 : i32 to vector<16xi32>
      %parallel_loop3A_165 = arith.shrui %parallel_loop3A_162, %parallel_loop3A_164 : vector<16xi32>
      %parallel_loop3A_166 = arith.constant 1597463007 : i32
      %parallel_loop3A_167 = vector.broadcast %parallel_loop3A_166 : i32 to vector<16xi32>
      %parallel_loop3A_168 = arith.subi %parallel_loop3A_167, %parallel_loop3A_165 : vector<16xi32>
      %parallel_loop3A_169 = vector.bitcast %parallel_loop3A_168 : vector<16xi32> to vector<16xf32>
      %parallel_loop3A_170 = arith.constant 5.000000e-01 : f32
      %parallel_loop3A_171 = vector.broadcast %parallel_loop3A_170 : f32 to vector<16xf32>
      %parallel_loop3A_172 = arith.mulf %parallel_loop3A_171, %parallel_loop3A_161 : vector<16xf32>
      %parallel_loop3A_173 = arith.mulf %parallel_loop3A_172, %parallel_loop3A_169 : vector<16xf32>
      %parallel_loop3A_174 = arith.mulf %parallel_loop3A_173, %parallel_loop3A_169 : vector<16xf32>
      %parallel_loop3A_175 = arith.constant 1.500000e+00 : f32
      %parallel_loop3A_176 = vector.broadcast %parallel_loop3A_175 : f32 to vector<16xf32>
      %parallel_loop3A_177 = arith.subf %parallel_loop3A_176, %parallel_loop3A_174 : vector<16xf32>
      %parallel_loop3A_178 = arith.mulf %parallel_loop3A_169, %parallel_loop3A_177 : vector<16xf32>
      %parallel_loop3A_179 = arith.mulf %parallel_loop3A_172, %parallel_loop3A_178 : vector<16xf32>
      %parallel_loop3A_180 = arith.mulf %parallel_loop3A_179, %parallel_loop3A_178 : vector<16xf32>
      %parallel_loop3A_181 = arith.constant 1.500000e+00 : f32
      %parallel_loop3A_182 = vector.broadcast %parallel_loop3A_181 : f32 to vector<16xf32>
      %parallel_loop3A_183 = arith.subf %parallel_loop3A_182, %parallel_loop3A_180 : vector<16xf32>
      %parallel_loop3A_184 = arith.mulf %parallel_loop3A_178, %parallel_loop3A_183 : vector<16xf32>
      %parallel_loop3A_185 = arith.mulf %parallel_loop3A_172, %parallel_loop3A_184 : vector<16xf32>
      %parallel_loop3A_186 = arith.mulf %parallel_loop3A_185, %parallel_loop3A_184 : vector<16xf32>
      %parallel_loop3A_187 = arith.constant 1.500000e+00 : f32
      %parallel_loop3A_188 = vector.broadcast %parallel_loop3A_187 : f32 to vector<16xf32>
      %parallel_loop3A_189 = arith.subf %parallel_loop3A_188, %parallel_loop3A_186 : vector<16xf32>
      %parallel_loop3A_190 = arith.mulf %parallel_loop3A_184, %parallel_loop3A_189 : vector<16xf32>
      %parallel_loop3A_191 = arith.mulf %parallel_loop3A_161, %parallel_loop3A_190 : vector<16xf32>
      %parallel_loop3A_192 = arith.constant 9.99999993E-9 : f32
      %parallel_loop3A_193 = vector.broadcast %parallel_loop3A_192 : f32 to vector<16xf32>
      %parallel_loop3A_194 = arith.addf %parallel_loop3A_158#1, %parallel_loop3A_193 : vector<16xf32>
      %parallel_loop3A_195 = vector.bitcast %parallel_loop3A_194 : vector<16xf32> to vector<16xi32>
      %parallel_loop3A_196 = arith.constant 1 : i32
      %parallel_loop3A_197 = vector.broadcast %parallel_loop3A_196 : i32 to vector<16xi32>
      %parallel_loop3A_198 = arith.shrui %parallel_loop3A_195, %parallel_loop3A_197 : vector<16xi32>
      %parallel_loop3A_199 = arith.constant 1597463007 : i32
      %parallel_loop3A_200 = vector.broadcast %parallel_loop3A_199 : i32 to vector<16xi32>
      %parallel_loop3A_201 = arith.subi %parallel_loop3A_200, %parallel_loop3A_198 : vector<16xi32>
      %parallel_loop3A_202 = vector.bitcast %parallel_loop3A_201 : vector<16xi32> to vector<16xf32>
      %parallel_loop3A_203 = arith.constant 5.000000e-01 : f32
      %parallel_loop3A_204 = vector.broadcast %parallel_loop3A_203 : f32 to vector<16xf32>
      %parallel_loop3A_205 = arith.mulf %parallel_loop3A_204, %parallel_loop3A_194 : vector<16xf32>
      %parallel_loop3A_206 = arith.mulf %parallel_loop3A_205, %parallel_loop3A_202 : vector<16xf32>
      %parallel_loop3A_207 = arith.mulf %parallel_loop3A_206, %parallel_loop3A_202 : vector<16xf32>
      %parallel_loop3A_208 = arith.constant 1.500000e+00 : f32
      %parallel_loop3A_209 = vector.broadcast %parallel_loop3A_208 : f32 to vector<16xf32>
      %parallel_loop3A_210 = arith.subf %parallel_loop3A_209, %parallel_loop3A_207 : vector<16xf32>
      %parallel_loop3A_211 = arith.mulf %parallel_loop3A_202, %parallel_loop3A_210 : vector<16xf32>
      %parallel_loop3A_212 = arith.mulf %parallel_loop3A_205, %parallel_loop3A_211 : vector<16xf32>
      %parallel_loop3A_213 = arith.mulf %parallel_loop3A_212, %parallel_loop3A_211 : vector<16xf32>
      %parallel_loop3A_214 = arith.constant 1.500000e+00 : f32
      %parallel_loop3A_215 = vector.broadcast %parallel_loop3A_214 : f32 to vector<16xf32>
      %parallel_loop3A_216 = arith.subf %parallel_loop3A_215, %parallel_loop3A_213 : vector<16xf32>
      %parallel_loop3A_217 = arith.mulf %parallel_loop3A_211, %parallel_loop3A_216 : vector<16xf32>
      %parallel_loop3A_218 = arith.mulf %parallel_loop3A_205, %parallel_loop3A_217 : vector<16xf32>
      %parallel_loop3A_219 = arith.mulf %parallel_loop3A_218, %parallel_loop3A_217 : vector<16xf32>
      %parallel_loop3A_220 = arith.constant 1.500000e+00 : f32
      %parallel_loop3A_221 = vector.broadcast %parallel_loop3A_220 : f32 to vector<16xf32>
      %parallel_loop3A_222 = arith.subf %parallel_loop3A_221, %parallel_loop3A_219 : vector<16xf32>
      %parallel_loop3A_223 = arith.mulf %parallel_loop3A_217, %parallel_loop3A_222 : vector<16xf32>
      %parallel_loop3A_224 = arith.mulf %parallel_loop3A_194, %parallel_loop3A_223 : vector<16xf32>
      %parallel_loop3A_225 = arith.subf %parallel_loop3A_191, %parallel_loop3A_148 : vector<16xf32>
      %parallel_loop3A_226 = arith.constant 2.000000e-01 : f32
      %parallel_loop3A_227 = vector.broadcast %parallel_loop3A_226 : f32 to vector<16xf32>
      %parallel_loop3A_228 = arith.addf %parallel_loop3A_225, %parallel_loop3A_227 : vector<16xf32>
      %parallel_loop3A_229 = arith.constant 0.000000e+00 : f32
      %parallel_loop3A_230 = vector.broadcast %parallel_loop3A_229 : f32 to vector<16xf32>
      %parallel_loop3A_231 = arith.maximumf %parallel_loop3A_228, %parallel_loop3A_230 : vector<16xf32>
      %parallel_loop3A_232 = arith.subf %parallel_loop3A_148, %parallel_loop3A_224 : vector<16xf32>
      %parallel_loop3A_233 = arith.constant 2.000000e-01 : f32
      %parallel_loop3A_234 = vector.broadcast %parallel_loop3A_233 : f32 to vector<16xf32>
      %parallel_loop3A_235 = arith.addf %parallel_loop3A_232, %parallel_loop3A_234 : vector<16xf32>
      %parallel_loop3A_236 = arith.constant 0.000000e+00 : f32
      %parallel_loop3A_237 = vector.broadcast %parallel_loop3A_236 : f32 to vector<16xf32>
      %parallel_loop3A_238 = arith.maximumf %parallel_loop3A_235, %parallel_loop3A_237 : vector<16xf32>
      %parallel_loop3A_239 = arith.constant 500 : i32
      %parallel_loop3A_240 = vector.broadcast %parallel_loop3A_239 : i32 to vector<16xi32>
      %parallel_loop3A_241 = arith.cmpi slt, %parallel_loop3A_120, %parallel_loop3A_240 : vector<16xi32>
      %parallel_loop3A_242 = arith.constant 0.000000e+00 : f32
      %parallel_loop3A_243 = vector.broadcast %parallel_loop3A_242 : f32 to vector<16xf32>
      %parallel_loop3A_244 = arith.cmpf ogt, %parallel_loop3A_231, %parallel_loop3A_243 : vector<16xf32>
      %parallel_loop3A_245 = arith.constant 0.000000e+00 : f32
      %parallel_loop3A_246 = vector.broadcast %parallel_loop3A_245 : f32 to vector<16xf32>
      %parallel_loop3A_247 = arith.cmpf ogt, %parallel_loop3A_238, %parallel_loop3A_246 : vector<16xf32>
      %parallel_loop3A_248 = arith.ori %parallel_loop3A_244, %parallel_loop3A_247 : vector<16xi1>
      %parallel_loop3A_249 = arith.andi %parallel_loop3A_241, %parallel_loop3A_248 : vector<16xi1>
      %parallel_loop3A_250 = arith.addf %parallel_loop3A_231, %parallel_loop3A_238 : vector<16xf32>
      %parallel_loop3A_251 = arith.constant 0.000000e+00 : f32
      %parallel_loop3A_252 = vector.broadcast %parallel_loop3A_251 : f32 to vector<16xf32>
      %parallel_loop3A_253 = arith.select %parallel_loop3A_241, %parallel_loop3A_250, %parallel_loop3A_252 : vector<16xi1>, vector<16xf32>
      %parallel_loop3A_254 = arith.addf %parallel_loop3A_115, %parallel_loop3A_253 : vector<16xf32>
      %parallel_loop3A_255 = arith.constant 1 : i32
      %parallel_loop3A_256 = arith.constant 0 : i32
      %parallel_loop3A_257 = vector.broadcast %parallel_loop3A_255 : i32 to vector<16xi32>
      %parallel_loop3A_258 = vector.broadcast %parallel_loop3A_256 : i32 to vector<16xi32>
      %parallel_loop3A_259 = arith.select %parallel_loop3A_249, %parallel_loop3A_257, %parallel_loop3A_258 : vector<16xi1>, vector<16xi32>
      %parallel_loop3A_260 = arith.addi %parallel_loop3A_116, %parallel_loop3A_259 : vector<16xi32>
      scf.yield %parallel_loop3A_254, %parallel_loop3A_260 : vector<16xf32>, vector<16xi32>
    } {sc.loop_unroll_factor = 1 : i64, sc.parallel_access}
    %swap3A = arith.constant 0 : index
    %swap3A_107 = tpu.vector_load %arg11[%swap3A] {strides = array<i32>} : memref<16xf32, #tpu.memory_space<vmem>>, vector<16xf32>,
    tpu.vector_store %arg11[%swap3A], %parallel_loop3A_106#0 {strides = array<i32>} : memref<16xf32, #tpu.memory_space<vmem>>, vector<16xf32>,
    %swap3A_108 = arith.constant 0 : index
    %swap3A_109 = tpu.vector_load %arg12[%swap3A_108] {strides = array<i32>} : memref<16xi32, #tpu.memory_space<vmem>>, vector<16xi32>,
    tpu.vector_store %arg12[%swap3A_108], %parallel_loop3A_106#1 {strides = array<i32>} : memref<16xi32, #tpu.memory_space<vmem>>, vector<16xi32>,
    %mul3A_110 = arith.constant 16 : i32
    %mul3A_111 = arith.muli %add3A, %mul3A_110 : i32
    "tpu.region"() ({
      %run_scoped3A = tpu.sem_alloc : memref<!tpu.dma_semaphore, #tpu.memory_space<semaphore_mem>>
      %dma_start3A_114 = tpu.memref_slice %arg5[%mul3A_111] : memref<512xf32, #tpu.memory_space<hbm>> -> memref<16xf32, #tpu.memory_space<hbm>>
      %dma_start3A_115 = tpu.memref_slice %arg5[%mul3A_111] : memref<512xf32, #tpu.memory_space<hbm>> -> memref<16xf32, #tpu.memory_space<hbm>>
      tpu.enqueue_dma source(%arg11 : memref<16xf32, #tpu.memory_space<vmem>>) target(%dma_start3A_115 : memref<16xf32, #tpu.memory_space<hbm>>) target_semaphore(%run_scoped3A : memref<!tpu.dma_semaphore, #tpu.memory_space<semaphore_mem>>)
      %dma_wait3A_116 = tpu.memref_slice %arg5[%mul3A_111] : memref<512xf32, #tpu.memory_space<hbm>> -> memref<16xf32, #tpu.memory_space<hbm>>
      %dma_wait3A_117 = tpu.memref_slice %arg5[%mul3A_111] : memref<512xf32, #tpu.memory_space<hbm>> -> memref<16xf32, #tpu.memory_space<hbm>>
      tpu.wait_dma2 semaphore(%run_scoped3A : memref<!tpu.dma_semaphore, #tpu.memory_space<semaphore_mem>>) src(%arg11 : memref<16xf32, #tpu.memory_space<vmem>>) dst(%dma_wait3A_117 : memref<16xf32, #tpu.memory_space<hbm>>)
      tpu.yield
    }) : () -> ()
    %mul3A_112 = arith.constant 16 : i32
    %mul3A_113 = arith.muli %add3A, %mul3A_112 : i32
    "tpu.region"() ({
      %run_scoped3A = tpu.sem_alloc : memref<!tpu.dma_semaphore, #tpu.memory_space<semaphore_mem>>
      %dma_start3A_114 = tpu.memref_slice %arg6[%mul3A_113] : memref<512xi32, #tpu.memory_space<hbm>> -> memref<16xi32, #tpu.memory_space<hbm>>
      %dma_start3A_115 = tpu.memref_slice %arg6[%mul3A_113] : memref<512xi32, #tpu.memory_space<hbm>> -> memref<16xi32, #tpu.memory_space<hbm>>
      tpu.enqueue_dma source(%arg12 : memref<16xi32, #tpu.memory_space<vmem>>) target(%dma_start3A_115 : memref<16xi32, #tpu.memory_space<hbm>>) target_semaphore(%run_scoped3A : memref<!tpu.dma_semaphore, #tpu.memory_space<semaphore_mem>>)
      %dma_wait3A_116 = tpu.memref_slice %arg6[%mul3A_113] : memref<512xi32, #tpu.memory_space<hbm>> -> memref<16xi32, #tpu.memory_space<hbm>>
      %dma_wait3A_117 = tpu.memref_slice %arg6[%mul3A_113] : memref<512xi32, #tpu.memory_space<hbm>> -> memref<16xi32, #tpu.memory_space<hbm>>
      tpu.wait_dma2 semaphore(%run_scoped3A : memref<!tpu.dma_semaphore, #tpu.memory_space<semaphore_mem>>) src(%arg12 : memref<16xi32, #tpu.memory_space<vmem>>) dst(%dma_wait3A_117 : memref<16xi32, #tpu.memory_space<hbm>>)
      tpu.yield
    }) : () -> ()
    return
  }
}

module attributes {stable_mosaic.version = 14 : i64} {
  func.func @_stats_body(%arg0: i32, %arg1: memref<200x128xf32, #tpu.memory_space<vmem>>, %arg2: memref<4000x128xf32, #tpu.memory_space<vmem>>, %arg3: memref<200x128xf32, #tpu.memory_space<vmem>>, %arg4: memref<200x128xf32, #tpu.memory_space<vmem>>, %arg5: memref<200x128xf32, #tpu.memory_space<vmem>>) attributes {dimension_semantics = [#tpu.dimension_semantics<arbitrary>], iteration_bounds = array<i64: 20>, scalar_prefetch = 0 : i64, scratch_operands = 0 : i64, tpu.core_type = #tpu.core_type<tc>, window_params = [{transform_indices = @transform_0, window_bounds = array<i64: 200, 128>}, {pipeline_mode = #tpu.pipeline_mode<synchronous>, transform_indices = @transform_1, window_bounds = array<i64: 4000, 128>}, {transform_indices = @transform_2, window_bounds = array<i64: 200, 128>}, {transform_indices = @transform_3, window_bounds = array<i64: 200, 128>}, {transform_indices = @transform_4, window_bounds = array<i64: 200, 128>}]} {
    %get3A = arith.constant 0 : index
    %get3A_0 = arith.constant 0 : index
    %get3A_1 = vector.load %arg1[%get3A, %get3A_0] : memref<200x128xf32, #tpu.memory_space<vmem>>, vector<200x128xf32>
    %get3A_2 = arith.constant 0 : index
    %get3A_3 = arith.constant 0 : index
    %get3A_4 = vector.load %arg2[%get3A_2, %get3A_3] : memref<4000x128xf32, #tpu.memory_space<vmem>>, vector<4000x128xf32>
    %mul3A = arith.constant 200 : i32
    %mul3A_5 = arith.muli %arg0, %mul3A : i32
    %dot_general3A = arith.constant dense<0.000000e+00> : vector<200x4000xf32>
    %dot_general3A_6 = tpu.matmul %get3A_1, %get3A_4, %dot_general3A {dimension_numbers = #tpu.dot_dimension_numbers<[1], [1], [0], [0], [0, 0, 1, 0], [], []>, transpose_lhs_hint = false} : vector<200x128xf32>, vector<4000x128xf32>, vector<200x4000xf32> -> vector<200x4000xf32>
    %mul3A_7 = arith.mulf %get3A_1, %get3A_1 : vector<200x128xf32>
    %reduce_sum3A = arith.constant dense<0.000000e+00> : vector<200xf32>
    %reduce_sum3A_8 = vector.multi_reduction <add>, %mul3A_7, %reduce_sum3A [1] : vector<200x128xf32> to vector<200xf32>
    %broadcast_in_dim3A = vector.shape_cast %reduce_sum3A_8 : vector<200xf32> to vector<200x1xf32>
    %broadcast_in_dim3A_9 = arith.constant 1.000000e+00 : f32
    %broadcast_in_dim3A_10 = vector.broadcast %broadcast_in_dim3A_9 : f32 to vector<8x128xf32>
    %mul3A_11 = arith.mulf %get3A_4, %get3A_4 : vector<4000x128xf32>
    %dot_general3A_12 = arith.constant dense<0.000000e+00> : vector<8x4000xf32>
    %dot_general3A_13 = tpu.matmul %broadcast_in_dim3A_10, %mul3A_11, %dot_general3A_12 {dimension_numbers = #tpu.dot_dimension_numbers<[1], [1], [0], [0], [0, 0, 1, 0], [], []>, transpose_lhs_hint = false} : vector<8x128xf32>, vector<4000x128xf32>, vector<8x4000xf32> -> vector<8x4000xf32>
    %slice3A = vector.extract_strided_slice %dot_general3A_13 {offsets = [0, 0], sizes = [1, 4000], strides = [1, 1]} : vector<8x4000xf32> to vector<1x4000xf32>
    %iota3A = tpu.iota {dimensions = array<i32: 0>} : vector<200x4000xi32>
    %add3A = vector.broadcast %mul3A_5 : i32 to vector<200x4000xi32>
    %add3A_14 = arith.addi %add3A, %iota3A : vector<200x4000xi32>
    %iota3A_15 = tpu.iota {dimensions = array<i32: 1>} : vector<200x4000xi32>
    %add3A_16 = vector.broadcast %broadcast_in_dim3A : vector<200x1xf32> to vector<200x4000xf32>
    %add3A_17 = vector.broadcast %slice3A : vector<1x4000xf32> to vector<200x4000xf32>
    %add3A_18 = arith.addf %add3A_16, %add3A_17 : vector<200x4000xf32>
    %mul3A_19 = arith.constant 2.000000e+00 : f32
    %mul3A_20 = vector.broadcast %mul3A_19 : f32 to vector<200x4000xf32>
    %mul3A_21 = arith.mulf %mul3A_20, %dot_general3A_6 : vector<200x4000xf32>
    %sub3A = arith.subf %add3A_18, %mul3A_21 : vector<200x4000xf32>
    %eq3A = arith.cmpi eq, %add3A_14, %iota3A_15 : vector<200x4000xi32>
    %jit3A = arith.constant 1.000000e+00 : f32
    %jit3A_22 = arith.constant 0.000000e+00 : f32
    %broadcast_in_dim3A_23 = vector.broadcast %jit3A : f32 to vector<200x4000xf32>
    %broadcast_in_dim3A_24 = vector.broadcast %jit3A_22 : f32 to vector<200x4000xf32>
    %select_n3A = arith.select %eq3A, %broadcast_in_dim3A_23, %broadcast_in_dim3A_24 : vector<200x4000xi1>, vector<200x4000xf32>
    %add3A_25 = arith.addf %sub3A, %select_n3A : vector<200x4000xf32>
    %max3A = arith.constant 9.99999996E-13 : f32
    %max3A_26 = vector.broadcast %max3A : f32 to vector<200x4000xf32>
    %max3A_27 = arith.maximumf %add3A_25, %max3A_26 : vector<200x4000xf32>
    %sqrt3A = math.sqrt %max3A_27 : vector<200x4000xf32>
    %max3A_28 = arith.constant 5.000000e-01 : f32
    %max3A_29 = vector.broadcast %max3A_28 : f32 to vector<200x4000xf32>
    %max3A_30 = arith.maximumf %sqrt3A, %max3A_29 : vector<200x4000xf32>
    %log3A = math.log %max3A_30 : vector<200x4000xf32>
    %mul3A_31 = arith.constant -1.260000e+02 : f32
    %mul3A_32 = vector.broadcast %mul3A_31 : f32 to vector<200x4000xf32>
    %mul3A_33 = arith.mulf %mul3A_32, %log3A : vector<200x4000xf32>
    %mul3A_34 = arith.constant 2.500000e-01 : f32
    %mul3A_35 = vector.broadcast %mul3A_34 : f32 to vector<200x4000xf32>
    %mul3A_36 = arith.mulf %mul3A_35, %max3A_30 : vector<200x4000xf32>
    %mul3A_37 = arith.mulf %mul3A_36, %max3A_30 : vector<200x4000xf32>
    %sub3A_38 = arith.constant 1.000000e+00 : f32
    %sub3A_39 = vector.broadcast %sub3A_38 : f32 to vector<200x4000xf32>
    %sub3A_40 = arith.subf %sub3A_39, %mul3A_37 : vector<200x4000xf32>
    %max3A_41 = arith.constant 9.99999993E-9 : f32
    %max3A_42 = vector.broadcast %max3A_41 : f32 to vector<200x4000xf32>
    %max3A_43 = arith.maximumf %sub3A_40, %max3A_42 : vector<200x4000xf32>
    %log3A_44 = math.log %max3A_43 : vector<200x4000xf32>
    %mul3A_45 = arith.constant 6.250000e+01 : f32
    %mul3A_46 = vector.broadcast %mul3A_45 : f32 to vector<200x4000xf32>
    %mul3A_47 = arith.mulf %mul3A_46, %log3A_44 : vector<200x4000xf32>
    %sub3A_48 = arith.subf %mul3A_33, %mul3A_47 : vector<200x4000xf32>
    %jit3A_49 = arith.constant 5 : i32
    %div3A = vector.broadcast %jit3A_49 : i32 to vector<200x4000xi32>
    %div3A_50 = arith.divsi %add3A_14, %div3A : vector<200x4000xi32>
    %sign3A = arith.constant 0 : i32
    %sign3A_51 = vector.broadcast %sign3A : i32 to vector<200x4000xi32>
    %sign3A_52 = arith.cmpi sgt, %add3A_14, %sign3A_51 : vector<200x4000xi32>
    %sign3A_53 = arith.extui %sign3A_52 : vector<200x4000xi1> to vector<200x4000xi32>
    %sign3A_54 = arith.constant 0 : i32
    %sign3A_55 = vector.broadcast %sign3A_54 : i32 to vector<200x4000xi32>
    %sign3A_56 = arith.cmpi slt, %add3A_14, %sign3A_55 : vector<200x4000xi32>
    %sign3A_57 = arith.extui %sign3A_56 : vector<200x4000xi1> to vector<200x4000xi32>
    %sign3A_58 = arith.subi %sign3A_53, %sign3A_57 : vector<200x4000xi32>
    %sign3A_59 = arith.constant 0 : i32
    %sign3A_60 = arith.cmpi sgt, %jit3A_49, %sign3A_59 : i32
    %sign3A_61 = arith.extui %sign3A_60 : i1 to i32
    %sign3A_62 = arith.constant 0 : i32
    %sign3A_63 = arith.cmpi slt, %jit3A_49, %sign3A_62 : i32
    %sign3A_64 = arith.extui %sign3A_63 : i1 to i32
    %sign3A_65 = arith.subi %sign3A_61, %sign3A_64 : i32
    %ne3A = vector.broadcast %sign3A_65 : i32 to vector<200x4000xi32>
    %ne3A_66 = arith.cmpi ne, %sign3A_58, %ne3A : vector<200x4000xi32>
    %rem3A = vector.broadcast %jit3A_49 : i32 to vector<200x4000xi32>
    %rem3A_67 = arith.remsi %add3A_14, %rem3A : vector<200x4000xi32>
    %ne3A_68 = arith.constant 0 : i32
    %ne3A_69 = vector.broadcast %ne3A_68 : i32 to vector<200x4000xi32>
    %ne3A_70 = arith.cmpi ne, %rem3A_67, %ne3A_69 : vector<200x4000xi32>
    %and3A = arith.andi %ne3A_66, %ne3A_70 : vector<200x4000xi1>
    %sub3A_71 = arith.constant 1 : i32
    %sub3A_72 = vector.broadcast %sub3A_71 : i32 to vector<200x4000xi32>
    %sub3A_73 = arith.subi %div3A_50, %sub3A_72 : vector<200x4000xi32>
    %select_n3A_74 = arith.select %and3A, %sub3A_73, %div3A_50 : vector<200x4000xi1>, vector<200x4000xi32>
    %jit3A_75 = arith.constant 5 : i32
    %div3A_76 = vector.broadcast %jit3A_75 : i32 to vector<200x4000xi32>
    %div3A_77 = arith.divsi %iota3A_15, %div3A_76 : vector<200x4000xi32>
    %sign3A_78 = arith.constant 0 : i32
    %sign3A_79 = vector.broadcast %sign3A_78 : i32 to vector<200x4000xi32>
    %sign3A_80 = arith.cmpi sgt, %iota3A_15, %sign3A_79 : vector<200x4000xi32>
    %sign3A_81 = arith.extui %sign3A_80 : vector<200x4000xi1> to vector<200x4000xi32>
    %sign3A_82 = arith.constant 0 : i32
    %sign3A_83 = vector.broadcast %sign3A_82 : i32 to vector<200x4000xi32>
    %sign3A_84 = arith.cmpi slt, %iota3A_15, %sign3A_83 : vector<200x4000xi32>
    %sign3A_85 = arith.extui %sign3A_84 : vector<200x4000xi1> to vector<200x4000xi32>
    %sign3A_86 = arith.subi %sign3A_81, %sign3A_85 : vector<200x4000xi32>
    %sign3A_87 = arith.constant 0 : i32
    %sign3A_88 = arith.cmpi sgt, %jit3A_75, %sign3A_87 : i32
    %sign3A_89 = arith.extui %sign3A_88 : i1 to i32
    %sign3A_90 = arith.constant 0 : i32
    %sign3A_91 = arith.cmpi slt, %jit3A_75, %sign3A_90 : i32
    %sign3A_92 = arith.extui %sign3A_91 : i1 to i32
    %sign3A_93 = arith.subi %sign3A_89, %sign3A_92 : i32
    %ne3A_94 = vector.broadcast %sign3A_93 : i32 to vector<200x4000xi32>
    %ne3A_95 = arith.cmpi ne, %sign3A_86, %ne3A_94 : vector<200x4000xi32>
    %rem3A_96 = vector.broadcast %jit3A_75 : i32 to vector<200x4000xi32>
    %rem3A_97 = arith.remsi %iota3A_15, %rem3A_96 : vector<200x4000xi32>
    %ne3A_98 = arith.constant 0 : i32
    %ne3A_99 = vector.broadcast %ne3A_98 : i32 to vector<200x4000xi32>
    %ne3A_100 = arith.cmpi ne, %rem3A_97, %ne3A_99 : vector<200x4000xi32>
    %and3A_101 = arith.andi %ne3A_95, %ne3A_100 : vector<200x4000xi1>
    %sub3A_102 = arith.constant 1 : i32
    %sub3A_103 = vector.broadcast %sub3A_102 : i32 to vector<200x4000xi32>
    %sub3A_104 = arith.subi %div3A_77, %sub3A_103 : vector<200x4000xi32>
    %select_n3A_105 = arith.select %and3A_101, %sub3A_104, %div3A_77 : vector<200x4000xi1>, vector<200x4000xi32>
    %ne3A_106 = arith.cmpi ne, %select_n3A_74, %select_n3A_105 : vector<200x4000xi32>
    %lt3A = arith.constant 1.400000e+00 : f32
    %lt3A_107 = vector.broadcast %lt3A : f32 to vector<200x4000xf32>
    %lt3A_108 = arith.cmpf olt, %max3A_30, %lt3A_107 : vector<200x4000xf32>
    %and3A_109 = arith.andi %ne3A_106, %lt3A_108 : vector<200x4000xi1>
    %reduce_max3A = arith.constant dense<0xFF800000> : vector<200xf32>
    %reduce_max3A_110 = vector.multi_reduction <maximumf>, %sub3A_48, %reduce_max3A [1] : vector<200x4000xf32> to vector<200xf32>
    %broadcast_in_dim3A_111 = vector.shape_cast %reduce_max3A_110 : vector<200xf32> to vector<200x1xf32>
    %jit3A_112 = arith.constant -1.000000e+30 : f32
    %broadcast_in_dim3A_113 = vector.broadcast %jit3A_112 : f32 to vector<200x4000xf32>
    %select_n3A_114 = arith.select %and3A_109, %sub3A_48, %broadcast_in_dim3A_113 : vector<200x4000xi1>, vector<200x4000xf32>
    %reduce_max3A_115 = arith.constant dense<0xFF800000> : vector<200xf32>
    %reduce_max3A_116 = vector.multi_reduction <maximumf>, %select_n3A_114, %reduce_max3A_115 [1] : vector<200x4000xf32> to vector<200xf32>
    %broadcast_in_dim3A_117 = vector.shape_cast %reduce_max3A_116 : vector<200xf32> to vector<200x1xf32>
    %sub3A_118 = vector.broadcast %broadcast_in_dim3A_117 : vector<200x1xf32> to vector<200x4000xf32>
    %sub3A_119 = arith.subf %sub3A_48, %sub3A_118 : vector<200x4000xf32>
    %exp3A = math.exp %sub3A_119 : vector<200x4000xf32>
    %jit3A_120 = arith.constant 0.000000e+00 : f32
    %broadcast_in_dim3A_121 = vector.broadcast %jit3A_120 : f32 to vector<200x4000xf32>
    %select_n3A_122 = arith.select %and3A_109, %exp3A, %broadcast_in_dim3A_121 : vector<200x4000xi1>, vector<200x4000xf32>
    %reduce_sum3A_123 = arith.constant dense<0.000000e+00> : vector<200xf32>
    %reduce_sum3A_124 = vector.multi_reduction <add>, %select_n3A_122, %reduce_sum3A_123 [1] : vector<200x4000xf32> to vector<200xf32>
    %broadcast_in_dim3A_125 = vector.shape_cast %reduce_sum3A_124 : vector<200xf32> to vector<200x1xf32>
    %broadcast_in_dim3A_126 = vector.shape_cast %broadcast_in_dim3A_117 : vector<200x1xf32> to vector<200x1xf32>
    %broadcast_in_dim3A_127 = vector.broadcast %broadcast_in_dim3A_126 : vector<200x1xf32> to vector<200x128xf32>
    %swap3A = arith.constant 0 : index
    %swap3A_128 = arith.constant 0 : index
    %swap3A_129 = vector.load %arg3[%swap3A, %swap3A_128] : memref<200x128xf32, #tpu.memory_space<vmem>>, vector<200x128xf32>
    tpu.vector_store %arg3[%swap3A, %swap3A_128], %broadcast_in_dim3A_127 {strides = array<i32>} : memref<200x128xf32, #tpu.memory_space<vmem>>, vector<200x128xf32>,
    %broadcast_in_dim3A_130 = vector.shape_cast %broadcast_in_dim3A_125 : vector<200x1xf32> to vector<200x1xf32>
    %broadcast_in_dim3A_131 = vector.broadcast %broadcast_in_dim3A_130 : vector<200x1xf32> to vector<200x128xf32>
    %swap3A_132 = arith.constant 0 : index
    %swap3A_133 = arith.constant 0 : index
    %swap3A_134 = vector.load %arg4[%swap3A_132, %swap3A_133] : memref<200x128xf32, #tpu.memory_space<vmem>>, vector<200x128xf32>
    tpu.vector_store %arg4[%swap3A_132, %swap3A_133], %broadcast_in_dim3A_131 {strides = array<i32>} : memref<200x128xf32, #tpu.memory_space<vmem>>, vector<200x128xf32>,
    %broadcast_in_dim3A_135 = vector.shape_cast %broadcast_in_dim3A_111 : vector<200x1xf32> to vector<200x1xf32>
    %broadcast_in_dim3A_136 = vector.broadcast %broadcast_in_dim3A_135 : vector<200x1xf32> to vector<200x128xf32>
    %swap3A_137 = arith.constant 0 : index
    %swap3A_138 = arith.constant 0 : index
    %swap3A_139 = vector.load %arg5[%swap3A_137, %swap3A_138] : memref<200x128xf32, #tpu.memory_space<vmem>>, vector<200x128xf32>
    tpu.vector_store %arg5[%swap3A_137, %swap3A_138], %broadcast_in_dim3A_136 {strides = array<i32>} : memref<200x128xf32, #tpu.memory_space<vmem>>, vector<200x128xf32>,
    return
  }
  func.func @transform_0(%arg0: i32) -> (i32, i32) {
    %c0_i32 = arith.constant 0 : i32
    %c0_i32_0 = arith.constant 0 : i32
    return %arg0, %c0_i32 : i32, i32
  }
  func.func @transform_1(%arg0: i32) -> (i32, i32) {
    %c0_i32 = arith.constant 0 : i32
    %c0_i32_0 = arith.constant 0 : i32
    %c0_i32_1 = arith.constant 0 : i32
    return %c0_i32, %c0_i32_0 : i32, i32
  }
  func.func @transform_2(%arg0: i32) -> (i32, i32) {
    %c0_i32 = arith.constant 0 : i32
    %c0_i32_0 = arith.constant 0 : i32
    return %arg0, %c0_i32 : i32, i32
  }
  func.func @transform_3(%arg0: i32) -> (i32, i32) {
    %c0_i32 = arith.constant 0 : i32
    %c0_i32_0 = arith.constant 0 : i32
    return %arg0, %c0_i32 : i32, i32
  }
  func.func @transform_4(%arg0: i32) -> (i32, i32) {
    %c0_i32 = arith.constant 0 : i32
    %c0_i32_0 = arith.constant 0 : i32
    return %arg0, %c0_i32 : i32, i32
  }
}

module attributes {stable_mosaic.version = 14 : i64} {
  func.func @_sample_body(%arg0: i32, %arg1: i32, %arg2: memref<80x1xf32, #tpu.memory_space<vmem>>, %arg3: memref<1x1xf32, #tpu.memory_space<vmem>>, %arg4: memref<80x128xf32, #tpu.memory_space<vmem>>, %arg5: memref<4000x128xf32, #tpu.memory_space<vmem>>, %arg6: memref<1x80x4000xf32, #tpu.memory_space<vmem>>, %arg7: memref<1x80x1xi32, #tpu.memory_space<vmem>>, %arg8: memref<80x4000xf32, #tpu.memory_space<vmem>>) attributes {dimension_semantics = [#tpu.dimension_semantics<arbitrary>, #tpu.dimension_semantics<arbitrary>], iteration_bounds = array<i64: 50, 4>, scalar_prefetch = 0 : i64, scratch_operands = 1 : i64, tpu.core_type = #tpu.core_type<tc>, window_params = [{transform_indices = @transform_0, window_bounds = array<i64: 80, 1>}, {pipeline_mode = #tpu.pipeline_mode<synchronous>, transform_indices = @transform_1, window_bounds = array<i64: 1, 1>}, {transform_indices = @transform_2, window_bounds = array<i64: 80, 128>}, {pipeline_mode = #tpu.pipeline_mode<synchronous>, transform_indices = @transform_3, window_bounds = array<i64: 4000, 128>}, {transform_indices = @transform_4, window_bounds = array<i64: 1, 80, 4000>}, {transform_indices = @transform_5, window_bounds = array<i64: 1, 80, 1>}]} {
    %get3A = arith.constant 0 : index
    %get3A_0 = arith.constant 0 : index
    %get3A_1 = vector.load %arg4[%get3A, %get3A_0] : memref<80x128xf32, #tpu.memory_space<vmem>>, vector<80x128xf32>
    %eq3A = arith.constant 0 : i32
    %eq3A_2 = arith.cmpi eq, %arg1, %eq3A : i32
    %convert_element_type3A = arith.extui %eq3A_2 : i1 to i32
    %cond3A = arith.constant 0 : i32
    %cond3A_3 = arith.cmpi ne, %convert_element_type3A, %cond3A : i32
    scf.if %cond3A_3 {
      %get3A_23 = arith.constant 0 : index
      %get3A_24 = arith.constant 0 : index
      %get3A_25 = vector.load %arg5[%get3A_23, %get3A_24] : memref<4000x128xf32, #tpu.memory_space<vmem>>, vector<4000x128xf32>
      %mul3A = arith.constant 80 : i32
      %mul3A_26 = arith.muli %arg0, %mul3A : i32
      %dot_general3A = arith.constant dense<0.000000e+00> : vector<80x4000xf32>
      %dot_general3A_27 = tpu.matmul %get3A_1, %get3A_25, %dot_general3A {dimension_numbers = #tpu.dot_dimension_numbers<[1], [1], [0], [0], [0, 0, 1, 0], [], []>, transpose_lhs_hint = false} : vector<80x128xf32>, vector<4000x128xf32>, vector<80x4000xf32> -> vector<80x4000xf32>
      %mul3A_28 = arith.mulf %get3A_1, %get3A_1 : vector<80x128xf32>
      %reduce_sum3A = arith.constant dense<0.000000e+00> : vector<80xf32>
      %reduce_sum3A_29 = vector.multi_reduction <add>, %mul3A_28, %reduce_sum3A [1] : vector<80x128xf32> to vector<80xf32>
      %broadcast_in_dim3A_30 = vector.shape_cast %reduce_sum3A_29 : vector<80xf32> to vector<80x1xf32>
      %broadcast_in_dim3A_31 = arith.constant 1.000000e+00 : f32
      %broadcast_in_dim3A_32 = vector.broadcast %broadcast_in_dim3A_31 : f32 to vector<8x128xf32>
      %mul3A_33 = arith.mulf %get3A_25, %get3A_25 : vector<4000x128xf32>
      %dot_general3A_34 = arith.constant dense<0.000000e+00> : vector<8x4000xf32>
      %dot_general3A_35 = tpu.matmul %broadcast_in_dim3A_32, %mul3A_33, %dot_general3A_34 {dimension_numbers = #tpu.dot_dimension_numbers<[1], [1], [0], [0], [0, 0, 1, 0], [], []>, transpose_lhs_hint = false} : vector<8x128xf32>, vector<4000x128xf32>, vector<8x4000xf32> -> vector<8x4000xf32>
      %slice3A = vector.extract_strided_slice %dot_general3A_35 {offsets = [0, 0], sizes = [1, 4000], strides = [1, 1]} : vector<8x4000xf32> to vector<1x4000xf32>
      %iota3A_36 = tpu.iota {dimensions = array<i32: 0>} : vector<80x4000xi32>
      %add3A_37 = vector.broadcast %mul3A_26 : i32 to vector<80x4000xi32>
      %add3A_38 = arith.addi %add3A_37, %iota3A_36 : vector<80x4000xi32>
      %iota3A_39 = tpu.iota {dimensions = array<i32: 1>} : vector<80x4000xi32>
      %add3A_40 = vector.broadcast %broadcast_in_dim3A_30 : vector<80x1xf32> to vector<80x4000xf32>
      %add3A_41 = vector.broadcast %slice3A : vector<1x4000xf32> to vector<80x4000xf32>
      %add3A_42 = arith.addf %add3A_40, %add3A_41 : vector<80x4000xf32>
      %mul3A_43 = arith.constant 2.000000e+00 : f32
      %mul3A_44 = vector.broadcast %mul3A_43 : f32 to vector<80x4000xf32>
      %mul3A_45 = arith.mulf %mul3A_44, %dot_general3A_27 : vector<80x4000xf32>
      %sub3A = arith.subf %add3A_42, %mul3A_45 : vector<80x4000xf32>
      %eq3A_46 = arith.cmpi eq, %add3A_38, %iota3A_39 : vector<80x4000xi32>
      %jit3A_47 = arith.constant 1.000000e+00 : f32
      %jit3A_48 = arith.constant 0.000000e+00 : f32
      %broadcast_in_dim3A_49 = vector.broadcast %jit3A_47 : f32 to vector<80x4000xf32>
      %broadcast_in_dim3A_50 = vector.broadcast %jit3A_48 : f32 to vector<80x4000xf32>
      %select_n3A_51 = arith.select %eq3A_46, %broadcast_in_dim3A_49, %broadcast_in_dim3A_50 : vector<80x4000xi1>, vector<80x4000xf32>
      %add3A_52 = arith.addf %sub3A, %select_n3A_51 : vector<80x4000xf32>
      %max3A = arith.constant 9.99999996E-13 : f32
      %max3A_53 = vector.broadcast %max3A : f32 to vector<80x4000xf32>
      %max3A_54 = arith.maximumf %add3A_52, %max3A_53 : vector<80x4000xf32>
      %sqrt3A = math.sqrt %max3A_54 : vector<80x4000xf32>
      %max3A_55 = arith.constant 5.000000e-01 : f32
      %max3A_56 = vector.broadcast %max3A_55 : f32 to vector<80x4000xf32>
      %max3A_57 = arith.maximumf %sqrt3A, %max3A_56 : vector<80x4000xf32>
      %log3A = math.log %max3A_57 : vector<80x4000xf32>
      %mul3A_58 = arith.constant -1.260000e+02 : f32
      %mul3A_59 = vector.broadcast %mul3A_58 : f32 to vector<80x4000xf32>
      %mul3A_60 = arith.mulf %mul3A_59, %log3A : vector<80x4000xf32>
      %mul3A_61 = arith.constant 2.500000e-01 : f32
      %mul3A_62 = vector.broadcast %mul3A_61 : f32 to vector<80x4000xf32>
      %mul3A_63 = arith.mulf %mul3A_62, %max3A_57 : vector<80x4000xf32>
      %mul3A_64 = arith.mulf %mul3A_63, %max3A_57 : vector<80x4000xf32>
      %sub3A_65 = arith.constant 1.000000e+00 : f32
      %sub3A_66 = vector.broadcast %sub3A_65 : f32 to vector<80x4000xf32>
      %sub3A_67 = arith.subf %sub3A_66, %mul3A_64 : vector<80x4000xf32>
      %max3A_68 = arith.constant 9.99999993E-9 : f32
      %max3A_69 = vector.broadcast %max3A_68 : f32 to vector<80x4000xf32>
      %max3A_70 = arith.maximumf %sub3A_67, %max3A_69 : vector<80x4000xf32>
      %log3A_71 = math.log %max3A_70 : vector<80x4000xf32>
      %mul3A_72 = arith.constant 6.250000e+01 : f32
      %mul3A_73 = vector.broadcast %mul3A_72 : f32 to vector<80x4000xf32>
      %mul3A_74 = arith.mulf %mul3A_73, %log3A_71 : vector<80x4000xf32>
      %sub3A_75 = arith.subf %mul3A_60, %mul3A_74 : vector<80x4000xf32>
      %jit3A_76 = arith.constant 5 : i32
      %div3A = vector.broadcast %jit3A_76 : i32 to vector<80x4000xi32>
      %div3A_77 = arith.divsi %add3A_38, %div3A : vector<80x4000xi32>
      %sign3A = arith.constant 0 : i32
      %sign3A_78 = vector.broadcast %sign3A : i32 to vector<80x4000xi32>
      %sign3A_79 = arith.cmpi sgt, %add3A_38, %sign3A_78 : vector<80x4000xi32>
      %sign3A_80 = arith.extui %sign3A_79 : vector<80x4000xi1> to vector<80x4000xi32>
      %sign3A_81 = arith.constant 0 : i32
      %sign3A_82 = vector.broadcast %sign3A_81 : i32 to vector<80x4000xi32>
      %sign3A_83 = arith.cmpi slt, %add3A_38, %sign3A_82 : vector<80x4000xi32>
      %sign3A_84 = arith.extui %sign3A_83 : vector<80x4000xi1> to vector<80x4000xi32>
      %sign3A_85 = arith.subi %sign3A_80, %sign3A_84 : vector<80x4000xi32>
      %sign3A_86 = arith.constant 0 : i32
      %sign3A_87 = arith.cmpi sgt, %jit3A_76, %sign3A_86 : i32
      %sign3A_88 = arith.extui %sign3A_87 : i1 to i32
      %sign3A_89 = arith.constant 0 : i32
      %sign3A_90 = arith.cmpi slt, %jit3A_76, %sign3A_89 : i32
      %sign3A_91 = arith.extui %sign3A_90 : i1 to i32
      %sign3A_92 = arith.subi %sign3A_88, %sign3A_91 : i32
      %ne3A = vector.broadcast %sign3A_92 : i32 to vector<80x4000xi32>
      %ne3A_93 = arith.cmpi ne, %sign3A_85, %ne3A : vector<80x4000xi32>
      %rem3A = vector.broadcast %jit3A_76 : i32 to vector<80x4000xi32>
      %rem3A_94 = arith.remsi %add3A_38, %rem3A : vector<80x4000xi32>
      %ne3A_95 = arith.constant 0 : i32
      %ne3A_96 = vector.broadcast %ne3A_95 : i32 to vector<80x4000xi32>
      %ne3A_97 = arith.cmpi ne, %rem3A_94, %ne3A_96 : vector<80x4000xi32>
      %and3A = arith.andi %ne3A_93, %ne3A_97 : vector<80x4000xi1>
      %sub3A_98 = arith.constant 1 : i32
      %sub3A_99 = vector.broadcast %sub3A_98 : i32 to vector<80x4000xi32>
      %sub3A_100 = arith.subi %div3A_77, %sub3A_99 : vector<80x4000xi32>
      %select_n3A_101 = arith.select %and3A, %sub3A_100, %div3A_77 : vector<80x4000xi1>, vector<80x4000xi32>
      %jit3A_102 = arith.constant 5 : i32
      %div3A_103 = vector.broadcast %jit3A_102 : i32 to vector<80x4000xi32>
      %div3A_104 = arith.divsi %iota3A_39, %div3A_103 : vector<80x4000xi32>
      %sign3A_105 = arith.constant 0 : i32
      %sign3A_106 = vector.broadcast %sign3A_105 : i32 to vector<80x4000xi32>
      %sign3A_107 = arith.cmpi sgt, %iota3A_39, %sign3A_106 : vector<80x4000xi32>
      %sign3A_108 = arith.extui %sign3A_107 : vector<80x4000xi1> to vector<80x4000xi32>
      %sign3A_109 = arith.constant 0 : i32
      %sign3A_110 = vector.broadcast %sign3A_109 : i32 to vector<80x4000xi32>
      %sign3A_111 = arith.cmpi slt, %iota3A_39, %sign3A_110 : vector<80x4000xi32>
      %sign3A_112 = arith.extui %sign3A_111 : vector<80x4000xi1> to vector<80x4000xi32>
      %sign3A_113 = arith.subi %sign3A_108, %sign3A_112 : vector<80x4000xi32>
      %sign3A_114 = arith.constant 0 : i32
      %sign3A_115 = arith.cmpi sgt, %jit3A_102, %sign3A_114 : i32
      %sign3A_116 = arith.extui %sign3A_115 : i1 to i32
      %sign3A_117 = arith.constant 0 : i32
      %sign3A_118 = arith.cmpi slt, %jit3A_102, %sign3A_117 : i32
      %sign3A_119 = arith.extui %sign3A_118 : i1 to i32
      %sign3A_120 = arith.subi %sign3A_116, %sign3A_119 : i32
      %ne3A_121 = vector.broadcast %sign3A_120 : i32 to vector<80x4000xi32>
      %ne3A_122 = arith.cmpi ne, %sign3A_113, %ne3A_121 : vector<80x4000xi32>
      %rem3A_123 = vector.broadcast %jit3A_102 : i32 to vector<80x4000xi32>
      %rem3A_124 = arith.remsi %iota3A_39, %rem3A_123 : vector<80x4000xi32>
      %ne3A_125 = arith.constant 0 : i32
      %ne3A_126 = vector.broadcast %ne3A_125 : i32 to vector<80x4000xi32>
      %ne3A_127 = arith.cmpi ne, %rem3A_124, %ne3A_126 : vector<80x4000xi32>
      %and3A_128 = arith.andi %ne3A_122, %ne3A_127 : vector<80x4000xi1>
      %sub3A_129 = arith.constant 1 : i32
      %sub3A_130 = vector.broadcast %sub3A_129 : i32 to vector<80x4000xi32>
      %sub3A_131 = arith.subi %div3A_104, %sub3A_130 : vector<80x4000xi32>
      %select_n3A_132 = arith.select %and3A_128, %sub3A_131, %div3A_104 : vector<80x4000xi1>, vector<80x4000xi32>
      %ne3A_133 = arith.cmpi ne, %select_n3A_101, %select_n3A_132 : vector<80x4000xi32>
      %lt3A = arith.constant 1.400000e+00 : f32
      %lt3A_134 = vector.broadcast %lt3A : f32 to vector<80x4000xf32>
      %lt3A_135 = arith.cmpf olt, %max3A_57, %lt3A_134 : vector<80x4000xf32>
      %and3A_136 = arith.andi %ne3A_133, %lt3A_135 : vector<80x4000xi1>
      %get3A_137 = arith.constant 0 : index
      %get3A_138 = arith.constant 0 : index
      %get3A_139 = vector.load %arg3[%get3A_137, %get3A_138] : memref<1x1xf32, #tpu.memory_space<vmem>>, vector<1x1xf32>
      %get3A_140 = vector.extract %get3A_139[0, 0] : f32 from vector<1x1xf32>
      %sub3A_141 = vector.broadcast %get3A_140 : f32 to vector<80x4000xf32>
      %sub3A_142 = arith.subf %sub3A_75, %sub3A_141 : vector<80x4000xf32>
      %exp3A = math.exp %sub3A_142 : vector<80x4000xf32>
      %jit3A_143 = arith.constant 0.000000e+00 : f32
      %broadcast_in_dim3A_144 = vector.broadcast %jit3A_143 : f32 to vector<80x4000xf32>
      %select_n3A_145 = arith.select %and3A_136, %exp3A, %broadcast_in_dim3A_144 : vector<80x4000xi1>, vector<80x4000xf32>
      %get3A_146 = arith.constant 0 : index
      %get3A_147 = arith.constant 0 : index
      %get3A_148 = vector.load %arg2[%get3A_146, %get3A_147] : memref<80x1xf32, #tpu.memory_space<vmem>>, vector<80x1xf32>
      %div3A_149 = vector.broadcast %get3A_148 : vector<80x1xf32> to vector<80x4000xf32>
      %div3A_150 = arith.divf %select_n3A_145, %div3A_149 : vector<80x4000xf32>
      %add3A_151 = arith.constant 9.99999996E-13 : f32
      %add3A_152 = vector.broadcast %add3A_151 : f32 to vector<80x4000xf32>
      %add3A_153 = arith.addf %div3A_150, %add3A_152 : vector<80x4000xf32>
      %log3A_154 = math.log %add3A_153 : vector<80x4000xf32>
      %swap3A_155 = arith.constant 0 : index
      %swap3A_156 = arith.constant 0 : index
      %swap3A_157 = vector.load %arg8[%swap3A_155, %swap3A_156] : memref<80x4000xf32, #tpu.memory_space<vmem>>, vector<80x4000xf32>
      tpu.vector_store %arg8[%swap3A_155, %swap3A_156], %log3A_154 {strides = array<i32>} : memref<80x4000xf32, #tpu.memory_space<vmem>>, vector<80x4000xf32>,
    } else {
    }
    %get3A_4 = arith.constant 0 : index
    %get3A_5 = arith.constant 0 : index
    %get3A_6 = vector.load %arg8[%get3A_4, %get3A_5] : memref<80x4000xf32, #tpu.memory_space<vmem>>, vector<80x4000xf32>
    %get3A_7 = arith.constant 0 : index
    %get3A_8 = arith.constant 0 : index
    %get3A_9 = arith.constant 0 : index
    %get3A_10 = vector.load %arg6[%get3A_7, %get3A_8, %get3A_9] : memref<1x80x4000xf32, #tpu.memory_space<vmem>>, vector<1x80x4000xf32>
    %get3A_11 = vector.shape_cast %get3A_10 : vector<1x80x4000xf32> to vector<80x4000xf32>
    %add3A = arith.addf %get3A_6, %get3A_11 : vector<80x4000xf32>
    %reduce_max3A = arith.constant dense<0xFF800000> : vector<80xf32>
    %reduce_max3A_12 = vector.multi_reduction <maximumf>, %add3A, %reduce_max3A [1] : vector<80x4000xf32> to vector<80xf32>
    %broadcast_in_dim3A = vector.shape_cast %reduce_max3A_12 : vector<80xf32> to vector<80x1xf32>
    %iota3A = tpu.iota {dimensions = array<i32: 1>} : vector<80x4000xi32>
    %eq3A_13 = vector.broadcast %broadcast_in_dim3A : vector<80x1xf32> to vector<80x4000xf32>
    %eq3A_14 = arith.cmpf oeq, %add3A, %eq3A_13 : vector<80x4000xf32>
    %jit3A = arith.constant 4000 : i32
    %broadcast_in_dim3A_15 = vector.broadcast %jit3A : i32 to vector<80x4000xi32>
    %select_n3A = arith.select %eq3A_14, %iota3A, %broadcast_in_dim3A_15 : vector<80x4000xi1>, vector<80x4000xi32>
    %reduce_min3A = arith.constant dense<2147483647> : vector<80xi32>
    %reduce_min3A_16 = vector.multi_reduction <minsi>, %select_n3A, %reduce_min3A [1] : vector<80x4000xi32> to vector<80xi32>
    %broadcast_in_dim3A_17 = vector.shape_cast %reduce_min3A_16 : vector<80xi32> to vector<80x1xi32>
    %swap3A = arith.constant 0 : index
    %swap3A_18 = arith.constant 0 : index
    %swap3A_19 = arith.constant 0 : index
    %swap3A_20 = vector.load %arg7[%swap3A, %swap3A_18, %swap3A_19] : memref<1x80x1xi32, #tpu.memory_space<vmem>>, vector<1x80x1xi32>
    %swap3A_21 = vector.shape_cast %swap3A_20 : vector<1x80x1xi32> to vector<80x1xi32>
    %swap3A_22 = vector.shape_cast %broadcast_in_dim3A_17 : vector<80x1xi32> to vector<1x80x1xi32>
    tpu.vector_store %arg7[%swap3A, %swap3A_18, %swap3A_19], %swap3A_22 {strides = array<i32>} : memref<1x80x1xi32, #tpu.memory_space<vmem>>, vector<1x80x1xi32>,
    return
  }
  func.func @transform_0(%arg0: i32, %arg1: i32) -> (i32, i32) {
    %c0_i32 = arith.constant 0 : i32
    %c0_i32_0 = arith.constant 0 : i32
    return %arg0, %c0_i32 : i32, i32
  }
  func.func @transform_1(%arg0: i32, %arg1: i32) -> (i32, i32) {
    %c0_i32 = arith.constant 0 : i32
    %c0_i32_0 = arith.constant 0 : i32
    %c0_i32_1 = arith.constant 0 : i32
    return %c0_i32, %c0_i32_0 : i32, i32
  }
  func.func @transform_2(%arg0: i32, %arg1: i32) -> (i32, i32) {
    %c0_i32 = arith.constant 0 : i32
    %c0_i32_0 = arith.constant 0 : i32
    return %arg0, %c0_i32 : i32, i32
  }
  func.func @transform_3(%arg0: i32, %arg1: i32) -> (i32, i32) {
    %c0_i32 = arith.constant 0 : i32
    %c0_i32_0 = arith.constant 0 : i32
    %c0_i32_1 = arith.constant 0 : i32
    return %c0_i32, %c0_i32_0 : i32, i32
  }
  func.func @transform_4(%arg0: i32, %arg1: i32) -> (i32, i32, i32) {
    %c0_i32 = arith.constant 0 : i32
    %c0_i32_0 = arith.constant 0 : i32
    return %arg1, %arg0, %c0_i32 : i32, i32, i32
  }
  func.func @transform_5(%arg0: i32, %arg1: i32) -> (i32, i32, i32) {
    %c0_i32 = arith.constant 0 : i32
    %c0_i32_0 = arith.constant 0 : i32
    return %arg1, %arg0, %c0_i32 : i32, i32, i32
  }
}

</mosaic_0001>

<sc_bundles>
// kernel: kernel.5.cloned.1.call-start
scs
__scs_entry_jumppad:
0x0: {  	(pc) =	sbr.rel $0x88, $3  }
0x1: {  	(tag) =	ssettag $0x0;
	lr =	simm.s32 $0x1  }
0x2: {  	[smem:$0x3F9F] =	sst lr;
	_ =	strace $0xD0000000  }
0x3: {  	_ = 	snop  }
0x4: {  	_ = 	snop  }
0x5: {  	_ = 	snop  }
0x6: {  	_ = 	snop  }
0x7: {  	_ = 	snop  }
__scs_overlays_trampoline_lowered:
0x8: {  	[smem:$0x3FAE] =	sst s0  }
0x9: {  	[smem:$0x3FAF] =	sst s1  }
0xa: {  	[smem:$0x3FB0] =	sst s2  }
0xb: {  	[smem:$0x3FB1] =	sst s3  }
0xc: {  	[smem:$0x3FB2] =	sst s4  }
0xd: {  	[smem:$0x3FB3] =	sst s5  }
0xe: {  	[smem:$0x3FB4] =	sst s6  }
0xf: {  	[smem:$0x3FB5] =	sst s7  }
0x10: {  	[smem:$0x3FB6] =	sst s8  }
0x11: {  	[smem:$0x3FB7] =	sst s9;
	s0 =	simm.s32 @!p0 $0x0  }
0x12: {  	s1 =	sld [smem:$0x3F9D];
	s0 =	simm.s32 @p0 $0x1  }
0x13: {  	[smem:$0x3FB8] =	sst s0;
	s0 =	simm.s32 @!p1 $0x0  }
0x14: {  	s2 =	sld [smem:$0x3F9C];
	s0 =	simm.s32 @p1 $0x1  }
0x15: {  	[smem:$0x3FB9] =	sst s0;
	s0 =	simm.s32 @!p2 $0x0  }
0x16: {  	s3 =	sld [smem:$0x3FDB];
	s0 =	simm.s32 @p2 $0x1  }
0x17: {  	s4 =	simm.s32 $0x1BF5;
	[smem:$0x3FBB] =	sst s0  }
0x18: {  	s0 =	sld [smem:$0x3F9E];
	_ =	swait.ge [sflag:s4], $0x0  }
0x19: {  	s7 =	sld [smem:$0x3F9F]  }
0x1a: {  	s8 =	sadd.s32 $0xFFFFE003, lr  }
0x1b: {  	s9 =	sadd.s32 $0xFFFFFEF7, lr;
	s5 =	simm.s32 $0xFFFFFFFF;
	p2 =	slt.u32 s8, $0xFFFFF086  }
0x1c: {  	p1 =	slt.u32 s9, $0xF7A;
	s5 =	simm.s32 @!p2 $0x0  }
0x1d: {  	s5 =	simm.s32 @p1 $0x1;
	p0 =	seq.s32 s7, s2  }
0x1e: {  	s7 =	smul.u32 @!p0 $0xF7A, s2;
	p2 =	seq.s32 @!p0 s5, $0x0  }
0x1f: {  	s9 =	smul.u32 $0xF7A, s1;
	s8 =	simm.s32 @!p0 $0x1BF5;
	p2 =	por !p2, p0  }
0x20: {  	[sflag:s8] =	ssyncset.s32 @!p0 $0xFFFFF086;
	s6 =	sadd.s32 @!p0 s3, s7;
	s7 =	simm.s32 @!p0 $0x108  }
0x21: {  	s3 =	sadd.s32 s3, s9;
	s6 =	sadd.s32 @!p0 $0x88, s6;
	s7 =	simm.s32 @p2 $0x1082  }
0x22: {  	[simem:s7], [sflag:s8] =	dma.local @!p0 [hbm:s6], $0xF7A  }
0x23: {  	s9 =	sor.u32 $0xD0000000, s2;
	s6 =	simm.s32 $0x108;
	_ =	swait.ge @!p0 [sflag:s8], $0x0  }
0x24: {  	s3 =	sadd.s32 $0x88, s3;
	s6 =	simm.s32 @!p1 $0x1082;
	[sflag:s4] =	ssyncset.s32 $0xFFFFF086  }
0x25: {  	[simem:s6], [sflag:s4] =	dma.local [hbm:s3], $0xF7A  }
0x26: {  	[smem:$0x3F9F] =	sst s1;
	(tag) =	ssettag s2;
	_ =	strace s9  }
0x27: {  	s1 =	sld [smem:$0x3FAF]  }
0x28: {  	s2 =	sld [smem:$0x3FB0]  }
0x29: {  	s4 =	sld [smem:$0x3FB2]  }
0x2a: {  	p0 =	seq.s32 s5, $0x0;
	s5 =	sld [smem:$0x3FB3]  }
0x2b: {  	s6 =	sld [smem:$0x3FB4]  }
0x2c: {  	s7 =	sld [smem:$0x3FB5]  }
0x2d: {  	s3 =	simm.s32 $0x108;
	s8 =	sld [smem:$0x3FB6]  }
0x2e: {  	s3 =	simm.s32 @!p0 $0x1082;
	s9 =	sld [smem:$0x3FB7]  }
0x2f: {  	lr =	sadd.s32 s0, s3;
	s0 =	sld [smem:$0x3FAE]  }
0x30: {  	s3 =	sld [smem:$0x3FB1]  }
0x31: {  	[smem:$0x3FBA] =	sst s10  }
0x32: {  	s10 =	sld [smem:$0x3FB8];
	_ =	sdelay $0x3  }
0x33: {  	p0 =	seq.s32 s10, $0x1;
	s10 =	sld [smem:$0x3FBA];
	_ =	sdelay $0x3  }
0x34: {  	[smem:$0x3FBA] =	sst s10  }
0x35: {  	s10 =	sld [smem:$0x3FB9];
	_ =	sdelay $0x3  }
0x36: {  	p1 =	seq.s32 s10, $0x1;
	s10 =	sld [smem:$0x3FBA];
	_ =	sdelay $0x3  }
0x37: {  	[smem:$0x3FBA] =	sst s10  }
0x38: {  	s10 =	sld [smem:$0x3FBB]  }
0x39: {  	_ = 	snop;
	(pc) =	sbr.ind lr, $3  }
0x3a: {  	_ = 	snop  }
0x3b: {  	_ = 	snop  }
0x3c: {  	p2 =	seq.s32 s10, $0x1;
	s10 =	sld [smem:$0x3FBA]  }
0x3d: {  	_ =	shalt  }
0x3e: {  	_ =	shalt  }
0x3f: {  	_ =	shalt  }
0x40: {  	_ =	shalt  }
0x41: {  	_ =	shalt  }
0x42: {  	_ =	shalt  }
0x43: {  	_ =	shalt  }
0x44: {  	_ =	shalt  }
0x45: {  	_ =	shalt  }
0x46: {  	_ =	shalt  }
0x47: {  	_ =	shalt  }
0x48: {  	_ =	shalt  }
0x49: {  	_ =	shalt  }
0x4a: {  	_ =	shalt  }
0x4b: {  	_ =	shalt  }
0x4c: {  	_ =	shalt  }
0x4d: {  	_ =	shalt  }
0x4e: {  	_ =	shalt  }
0x4f: {  	_ =	shalt  }
0x50: {  	_ =	shalt  }
0x51: {  	_ =	shalt  }
0x52: {  	_ =	shalt  }
0x53: {  	_ =	shalt  }
0x54: {  	_ =	shalt  }
0x55: {  	_ =	shalt  }
0x56: {  	_ =	shalt  }
0x57: {  	_ =	shalt  }
0x58: {  	_ =	shalt  }
0x59: {  	_ =	shalt  }
0x5a: {  	_ =	shalt  }
0x5b: {  	_ =	shalt  }
0x5c: {  	_ =	shalt  }
0x5d: {  	_ =	shalt  }
0x5e: {  	_ =	shalt  }
0x5f: {  	_ =	shalt  }
0x60: {  	_ =	shalt  }
0x61: {  	_ =	shalt  }
0x62: {  	_ =	shalt  }
0x63: {  	_ =	shalt  }
0x64: {  	_ =	shalt  }
0x65: {  	_ =	shalt  }
0x66: {  	_ =	shalt  }
0x67: {  	_ =	shalt  }
0x68: {  	_ =	shalt  }
0x69: {  	_ =	shalt  }
0x6a: {  	_ =	shalt  }
0x6b: {  	_ =	shalt  }
0x6c: {  	_ =	shalt  }
0x6d: {  	_ =	shalt  }
0x6e: {  	_ =	shalt  }
0x6f: {  	_ =	shalt  }
0x70: {  	_ =	shalt  }
0x71: {  	_ =	shalt  }
0x72: {  	_ =	shalt  }
0x73: {  	_ =	shalt  }
0x74: {  	_ =	shalt  }
0x75: {  	_ =	shalt  }
0x76: {  	_ =	shalt  }
0x77: {  	_ =	shalt  }
0x78: {  	_ =	shalt  }
0x79: {  	_ =	shalt  }
0x7a: {  	_ =	shalt  }
0x7b: {  	_ =	shalt  }
0x7c: {  	_ =	shalt  }
0x7d: {  	_ =	shalt  }
0x7e: {  	_ =	shalt  }
0x7f: {  	_ =	shalt  }
0x80: {  	_ =	shalt  }
0x81: {  	_ =	shalt  }
0x82: {  	_ =	shalt  }
0x83: {  	_ =	shalt  }
0x84: {  	_ =	shalt  }
0x85: {  	_ =	shalt  }
0x86: {  	_ =	shalt  }
0x87: {  	_ =	shalt  }
.Lfunc_end0:
.L_simem_size_0:
called_computation_lowered:
.L_overlay_start_0:
0x88: {  	s2 =	sld [smem:$0x3FD9]  }
0x89: {  	s3 =	sld [smem:$0x3FFE];
	_ =	sdelay $0x1  }
0x8a: {  	s1 =	srdreg.scid  }
0x8b: {  	s0 =	sand.u32 $0x1, s1  }
0x8c: {  	s17 =	sshll.u32 s0, $0xA;
	s2 =	sadd.s32 s3, s2  }
0x8d: {  	s2 =	sadd.s32 s2, s17  }
0x8e: {  	[smem:$0x3FC6] =	sst s2  }
0x8f: {  	_ = 	snop  }
0x90: {  	s2 =	sld [smem:$0x3FC9]  }
0x91: {  	s18 =	sld [smem:$0x3FC8];
	(tm) =	ssettm $0x1  }
0x92: {  	s4 =	sld [smem:$0x3FFB];
	_ =	sdelay $0x3  }
0x93: {  	_ =	strace s4  }
0x94: {  	s4 =	sld [smem:$0x3FFC];
	_ =	sdelay $0x3  }
0x95: {  	_ =	strace s4  }
0x96: {  	s4 =	sld [smem:$0x3FFD];
	_ =	sdelay $0x3  }
0x97: {  	_ =	strace s4  }
0x98: {  	_ =	strace $0x8FFFFFFF  }
0x99: {  	s19 =	sld [smem:$0x3FDB];
	_ =	sdelay $0x1  }
0x9a: {  	s5 =	simm.s32 $_scs_section_size  }
0x9b: {  	s6 =	simm.s32 $_size__tile_overlayer_lowered;
	s7 =	simm.s32 $_tile_overlayer_lowered  }
0x9c: {  	s22 =	simm.s32 $0x1BFF;
	s21 =	sshll.u32 s7, $0x1;
	s4 =	sadd.s32 s5, s19  }
0x9d: {  	s8 =	simm.s32 $0x0;
	s20 =	sshll.u32 s6, $0x1;
	s6 =	sadd.s32 s21, s4  }
0x9e: {  	[timem:s8], [sflag:s22] =	dma.local [hbm:s6], s20  }
0x9f: {  	_ =	swait.ge [sflag:s22], s20  }
0xa0: {  	s5 =	ssub.s32 $0x0, s20;
	[sflag:s22] =	ssyncset.done $0x0  }
0xa1: {  	[sflag:s22] =	ssyncadd.s32 s5;
	_ =	sdelay $0x1  }
0xa2: {  	s23 =	simm.s32 $0x1B8B  }
0xa3: {  	_ =	swait.ge [sflag:s23], $0x1  }
0xa4: {  	[sflag:s23] =	ssyncset.done $0x0  }
0xa5: {  	s25 =	simm.s32 $0x1B8E;
	s24 =	sld [smem:$0x3FFE];
	[sflag:s23] =	ssyncadd.s32 $0xFFFFFFFF  }
0xa6: {  	s26 =	simm.s32 $execute0_lowered;
	[smem:$0x3FD2] =	sst s25  }
0xa7: {  	s6 =	sshll.u32 s26, $0x1;
	_ =	strace $0x80000046;
	[dreg:$0x1] =	wrdreg $0xFFFFFFFF  }
0xa8: {  	s28 =	simm.s32 $_size_execute0_lowered;
	s4 =	sadd.s32 s4, s6;
	[dreg:$0x0] =	wrdreg $0x0  }
0xa9: {  	s6 =	sshll.u32 s28, $0x1;
	[dreg:$0x2] =	wrdreg s4  }
0xaa: {  	[dreg:$0x3] =	wrdreg s6  }
0xab: {  	[dreg:$0x4] =	wrdreg $0xC0  }
0xac: {  	_ =	task [dreg:s8], $0x5FFFF  }
0xad: {  	[dreg:$0x1] =	wrdreg $0xFFFFFFFF  }
0xae: {  	[dreg:$0x0] =	wrdreg $0x60  }
0xaf: {  	[dreg:$0x2] =	wrdreg s2  }
0xb0: {  	[dreg:$0x3] =	wrdreg s24  }
0xb1: {  	[dreg:$0x4] =	wrdreg s18  }
0xb2: {  	[dreg:$0x5] =	wrdreg $0x9  }
0xb3: {  	_ =	task.clear_ibuf [dreg:s8], $0x6FFFF;
	_ =	strace $0x90000046  }
0xb4: {  	s29 =	simm.s32 $0x9;
	_ =	strace $0x80000048  }
0xb5: {  	_ =	swait.ge [sflag:s29], $0x1  }
0xb6: {  	[sflag:s29] =	ssyncadd.s32 $0xFFFFFFFF  }
0xb7: {  	_ =	strace $0x90000048  }
0xb8: {  	_ =	sfence  }
0xb9: {  	s30 =	sld [smem:$0x0];
	_ =	sdelay $0x2  }
0xba: {  	s31 =	sshll.u32 s1, $0xD;
	s1 =	sshrl.u32 s1, $0x2  }
0xbb: {  	s3 =	sand.u32 $0x4000, s31;
	s1 =	sadd.s32 s1, s30  }
0xbc: {  	s0 =	sor.u32 s3, s0;
	s1 =	sshll.u32 s1, $0x11  }
0xbd: {  	s0 =	sor.u32 s1, s0  }
0xbe: {  	s0 =	sadd.s32 $0x8F2B, s0  }
0xbf: {  	[sflag:s0] =	ssyncadd.remote.s32 $0x1  }
0xc0: {  	_ =	sfence.sel $0xFFFF  }
0xc1: {  	[dreg:$0x0] =	wrdreg $0xFFFFFFFF;
	(pc) =	sbr.abs _section_cstart, $3  }
0xc2: {  	[dreg:$0x1] =	wrdreg $0xFFFFFFFF  }
0xc3: {  	_ =	task.clear_ibuf [dreg:s8], $0x2FFFF;
	_ =	strace $0x9FFFFFFF  }
0xc4: {  	(tm) =	ssettm $0x7FFFFFFF  }
0xc5: {  	_ =	shalt  }
tec
execute0_lowered:
.L_overlay_start_1:
0x0: {  	(tag) =	ssettag $0x1  }
0x1: {  	s1 =	rddreg [dreg:$0x0]  }
0x2: {  	s2 =	srdreg.scid;
	s4 =	rddreg [dreg:$0x1]  }
0x3: {  	s0 =	stileid.u32;
	s6 =	rddreg [dreg:$0x2];
	s3 =	simm.s32 $0x0  }
0x4: {  	s12 =	simm.s32 $0x80;
	s13 =	simm.s32 $0x4400;
	s14 =	simm.s32 $0x14480  }
0x5: {  	s15 =	simm.s32 $0x8400;
	s16 =	simm.s32 $0x14500;
	s17 =	simm.s32 $0xC400  }
0x6: {  	s18 =	simm.s32 $0x14580;
	s19 =	simm.s32 $0x10400;
	s20 =	simm.s32 $0x14600  }
0x7: {  	s21 =	simm.s32 $0x1;
	s5 =	sand.u32 $0x1, s2;
	s28 =	sshll.u32 s0, $0x1  }
0x8: {  	s23 =	simm.s32 $0x14780;
	s2 =	rddreg [dreg:$0x3];
	s7 =	sor.u32 s5, s28  }
0x9: {  	s24 =	simm.s32 $0x0;
	[smem:$0x7FF] =	sst s3;
	s8 =	smul.u32 $0x7D, s7  }
0xa: {  	_ =	strace $0x80000047;
	s5 =	ssub.s32 $0x2, s5;
	s10 =	sshll.u32 s7, $0x1  }
0xb: {  	s11 =	sshrl.u32 s5, $0x1;
	s29 =	sshll.u32 s7, $0x6;
	s9 =	sand.u32 $0xFF8, s8  }
0xc: {  	s10 =	sadd.s32 s10, s4;
	s11 =	ssub.s32 s5, s11;
	s9 =	smin.u32 s9, $0xF18  }
0xd: {  	s4 =	sadd.s32 s4, s29;
	s7 =	sadd.s32 $0xA00, s10;
	s22 =	ssub.s32 s8, s9  }
0xe: {  	v0 =	vlaneseq.u32;
	s30 =	sshll.u32 s9, $0x4;
	s31 =	sshrl.u32 s9, $0x3;
	s8 =	sadd.s32 $0x800, s10  }
0xf: {  	v4 =	vimm.s32 $0x0;
	v1 =	vand.u32 $0x3, v0;
	s9 =	smax.u32 s11, $0x1;
	s10 =	simm.s32 $0x14400;
	s11 =	simm.s32 $0x2  }
0x10: {  	v6 =	vimm.f32 $0.0e+00;
	v3 =	vadd.s32 $0x1, v1;
	s5 =	sadd.s32 s1, s30;
	s6 =	sadd.s32 s6, s31;
	v2 =	vmov s22;
	s22 =	simm.s32 $0x14700  }
.LBB2_1:
0x11: {  	[tilespmem:s10], [sflag:$0x2] =	stream.linear.gather [hbm4b:s4+s3], $0x200, $0x38;
	[tilespmem:$0x14800] =	vst v63  }
0x12: {  	_ =	swait.ge [sflag:s11], $0x200  }
0x13: {  	[sflag:s11] =	ssyncset.done $0x0  }
0x14: {  	[sflag:s11] =	ssyncadd.s32 $0xFFFFFE00  }
0x15: {  	[tilespmem:s13], [sflag:$0x1] =	stream.indirect.gather [hbm4b:s1+s12], $0x80, s10, s12, $0xb8;
	[tilespmem:$0x14800] =	vst v63  }
0x16: {  	_ = 	snop  }
0x17: {  	[tilespmem:s15], [sflag:$0x1] =	stream.indirect.gather [hbm4b:s1+s12], $0x80, s14, s12, $0xb8;
	[tilespmem:$0x14800] =	vst v63  }
0x18: {  	_ = 	snop  }
0x19: {  	[tilespmem:s17], [sflag:$0x1] =	stream.indirect.gather [hbm4b:s1+s12], $0x80, s16, s12, $0xb8;
	[tilespmem:$0x14800] =	vst v63  }
0x1a: {  	_ = 	snop  }
0x1b: {  	[tilespmem:s19], [sflag:$0x1] =	stream.indirect.gather [hbm4b:s1+s12], $0x80, s18, s12, $0xb8;
	[tilespmem:$0x14800] =	vst v63  }
0x1c: {  	_ = 	snop  }
0x1d: {  	[tilespmem:s3], [sflag:$0x2] =	stream.linear.gather [hbm4b:s5+s3], $0x4400, $0x38;
	[tilespmem:$0x14800] =	vst v63  }
0x1e: {  	_ =	swait.ge [sflag:s11], $0x4400  }
0x1f: {  	[sflag:s11] =	ssyncset.done $0x0  }
0x20: {  	[sflag:s11] =	ssyncadd.s32 $0xFFFFBC00  }
0x21: {  	[tilespmem:s20], [sflag:$0x2] =	stream.linear.gather [hbm4b:s6+s3], $0x88, $0x38;
	[tilespmem:$0x14800] =	vst v63  }
0x22: {  	_ =	swait.ge [sflag:s11], $0x88  }
0x23: {  	[sflag:s11] =	ssyncset.done $0x0  }
0x24: {  	[sflag:s11] =	ssyncadd.s32 $0xFFFFFF78  }
0x25: {  	_ =	swait.ge [sflag:s21], $0x4000  }
0x26: {  	[sflag:s21] =	ssyncset.done $0x0  }
0x27: {  	[sflag:s21] =	ssyncadd.s32 $0xFFFFC000  }
0x28: {  	_ =	swait.ge [sflag:s21], $0x4000  }
0x29: {  	[sflag:s21] =	ssyncset.done $0x0  }
0x2a: {  	[sflag:s21] =	ssyncadd.s32 $0xFFFFC000  }
0x2b: {  	_ =	swait.ge [sflag:s21], $0x4000  }
0x2c: {  	[sflag:s21] =	ssyncset.done $0x0  }
0x2d: {  	[sflag:s21] =	ssyncadd.s32 $0xFFFFC000  }
0x2e: {  	_ =	swait.ge [sflag:s21], $0x4000  }
0x2f: {  	[sflag:s21] =	ssyncset.done $0x0  }
0x30: {  	v5 =	vimm.s32 $0x0;
	v7 =	vimm.f32 $0.0e+00;
	s25 =	simm.s32 $0x0;
	[sflag:s21] =	ssyncadd.s32 $0xFFFFC000  }
.LBB2_2:
0x31: {  	s26 =	sshll.u32 s25, $0x4  }
0x32: {  	v8 =	vor.u32 s26, v0  }
0x33: {  	v9 =	vshrl.u32 v8, $0x2  }
0x34: {  	v10 =	vmul.u32 $0xCCCD, v9;
	_ =	sdelay $0x1  }
0x35: {  	v10 =	vshrl.u32 v10, $0x12  }
0x36: {  	s30 =	simm.s32 $0x6;
	s28 =	simm.s32 $0x4;
	s31 =	simm.s32 $0x2;
	v10 =	vmul.u32 $0x5, v10  }
0x37: {  	v13 =	vmov s30;
	s30 =	simm.s32 $0x3;
	v14 =	vmov s28;
	v16 =	vmov s31  }
0x38: {  	v17 =	vmov s30;
	v13 =	vand.u32 $0x7E, v13;
	v11 =	vsub.s32 v9, v10  }
0x39: {  	v16 =	vand.u32 $0x7A, v16;
	v12 =	vadd.s32 v2, v9;
	vm0 =	vlt.s32 v11, v3  }
0x3a: {  	s29 =	simm.s32 $0x7;
	v24 =	vbroadcast v13, $0x0;
	v10 =	vadd.s32 v2, v10;
	v11 =	vsel vm0, v3, v1  }
0x3b: {  	v13 =	vand.u32 $0x7C, v14;
	v9 =	vadd.s32 v11, v10;
	v11 =	vmov s29  }
0x3c: {  	v19 =	vbroadcast v13, $0x0;
	v10 =	vshll.u32 v12, $0x7;
	v11 =	vand.u32 $0x7F, v11  }
0x3d: {  	v16 =	vbroadcast v16, $0x0;
	s29 =	simm.s32 $0x5;
	v13 =	vor.u32 v10, v24;
	v23 =	vbroadcast v11, $0x0  }
0x3e: {  	v9 =	vshll.u32 v9, $0x7;
	v15 =	vmov s29;
	s29 =	simm.s32 $0x0;
	v20 =	vor.u32 v10, v19  }
0x3f: {  	s31 =	simm.s32 $0x1;
	v26 =	vor.u32 v10, v16;
	v18 =	vmov s29;
	v14 =	vor.u32 v10, v23  }
0x40: {  	v11 =	vmov s31;
	v15 =	vand.u32 $0x7D, v15;
	v28 =	vor.u32 v9, v16  }
0x41: {  	v22 =	vbroadcast v15, $0x0;
	v15 =	vand.u32 $0x7B, v17;
	v11 =	vand.u32 $0x79, v11  }
0x42: {  	v18 =	vand.u32 $0x78, v18;
	v17 =	vbroadcast v15, $0x0;
	v45 =	vor.u32 v9, v23;
	v29 =	vld.idx.msk [tilespmem:v13+s3+$0x0], $0xffff  }
0x43: {  	s26 =	simm.s32 $0xA;
	v21 =	vbroadcast v11, $0x0;
	v11 =	vshll.u32 v8, $0x7;
	v15 =	vor.u32 v10, v22;
	v32 =	vld.idx.msk [tilespmem:v20+s3+$0x0], $0xffff  }
0x44: {  	v35 =	vmov s26;
	s31 =	simm.s32 $0xD;
	v16 =	vor.u32 v11, v16;
	v27 =	vld.idx.msk [tilespmem:v14+s3+$0x0], $0xffff;
	v14 =	vbroadcast v18, $0x0  }
0x45: {  	v46 =	vand.u32 $0x7A, v35;
	v33 =	vmov s31;
	s31 =	simm.s32 $0x9;
	v13 =	vor.u32 v10, v21;
	v26 =	vld.idx.msk [tilespmem:v26+s3+$0x0], $0xffff  }
0x46: {  	v51 =	vor.u32 v9, v19;
	v38 =	vmov s31;
	v28 =	vld.idx.msk [tilespmem:v28+s3+$0x0], $0xffff;
	v31 =	vor.u32 v10, v14  }
0x47: {  	s29 =	simm.s32 $0xF;
	v49 =	vand.u32 $0x79, v38;
	v52 =	vor.u32 v11, v19;
	v58 =	vld.idx.msk [tilespmem:v45+s3+$0x0], $0xffff;
	v34 =	vor.u32 v9, v14  }
0x48: {  	s30 =	simm.s32 $0xE;
	v53 =	vor.u32 v9, v22;
	v18 =	vmov s29;
	v30 =	vld.idx.msk [tilespmem:v15+s3+$0x0], $0xffff;
	v14 =	vor.u32 v11, v14  }
0x49: {  	v39 =	vor.u32 v9, v21;
	v15 =	vmov s30;
	v18 =	vand.u32 $0x7F, v18;
	v16 =	vld.idx.msk [tilespmem:v16+s13+$0x0], $0xffff  }
0x4a: {  	v40 =	vand.u32 $0x7E, v15;
	v15 =	vbroadcast v18, $0x0;
	v18 =	vor.u32 v11, v21;
	v41 =	vld.idx.msk [tilespmem:v13+s3+$0x0], $0xffff  }
0x4b: {  	s28 =	simm.s32 $0xC;
	v44 =	vor.u32 v11, v22;
	v55 =	vor.u32 v11, v24;
	v25 =	vor.u32 v10, v17;
	v31 =	vld.idx.msk [tilespmem:v31+s3+$0x0], $0xffff  }
0x4c: {  	v20 =	vmov s28;
	s28 =	simm.s32 $0x8;
	v48 =	vor.u32 v9, v17;
	v50 =	vor.u32 v11, v17;
	s30 =	simm.s32 $0xB;
	v34 =	vld.idx.msk [tilespmem:v34+s3+$0x0], $0xffff  }
0x4d: {  	v19 =	vbroadcast v49, $0x0;
	v37 =	vmov s28;
	v36 =	vmov s30;
	v42 =	vld.idx.msk [tilespmem:v14+s13+$0x0], $0xffff  }
0x4e: {  	v13 =	vand.u32 $0x7C, v20;
	v20 =	vand.u32 $0x7D, v33;
	v21 =	vand.u32 $0x78, v37;
	v39 =	vld.idx.msk [tilespmem:v39+s3+$0x0], $0xffff  }
0x4f: {  	v47 =	vand.u32 $0x7B, v36;
	v20 =	vbroadcast v20, $0x0;
	v17 =	vbroadcast v40, $0x0;
	v43 =	vld.idx.msk [tilespmem:v18+s13+$0x0], $0xffff  }
0x50: {  	v25 =	vld.idx.msk [tilespmem:v25+s3+$0x0], $0xffff;
	v13 =	vbroadcast v13, $0x0;
	v28 =	vsub.f32 v26, v28;
	v54 =	vor.u32 v10, v15  }
0x51: {  	v38 =	vld.idx.msk [tilespmem:v50+s13+$0x0], $0xffff;
	v22 =	vor.u32 v10, v17;
	v61 =	vsub.f32 v27, v58;
	v16 =	vsub.f32 v26, v16  }
0x52: {  	v36 =	vld.idx.msk [tilespmem:v48+s3+$0x0], $0xffff;
	v28 =	vmul.f32 v28, v28;
	v34 =	vsub.f32 v31, v34;
	v31 =	vsub.f32 v31, v42  }
0x53: {  	v35 =	vld.idx.msk [tilespmem:v52+s13+$0x0], $0xffff;
	v18 =	vbroadcast v46, $0x0;
	v46 =	vor.u32 v9, v24;
	v39 =	vsub.f32 v41, v39  }
0x54: {  	v40 =	vld.idx.msk [tilespmem:v51+s3+$0x0], $0xffff;
	v41 =	vsub.f32 v41, v43;
	v34 =	vmul.f32 v34, v34;
	v31 =	vmul.f32 v31, v31  }
0x55: {  	v33 =	vld.idx.msk [tilespmem:v53+s3+$0x0], $0xffff;
	v14 =	vbroadcast v47, $0x0;
	v47 =	vor.u32 v11, v23;
	v39 =	vmul.f32 v39, v39  }
0x56: {  	v26 =	vld.idx.msk [tilespmem:v44+s13+$0x0], $0xffff;
	v41 =	vmul.f32 v41, v41;
	v34 =	vadd.f32 v34, v6;
	v31 =	vadd.f32 v31, v6  }
0x57: {  	v57 =	vld.idx.msk [tilespmem:v55+s13+$0x0], $0xffff;
	v23 =	vor.u32 v10, v13;
	v36 =	vsub.f32 v25, v36;
	v25 =	vsub.f32 v25, v38  }
0x58: {  	v16 =	vmul.f32 v16, v16;
	v56 =	vld.idx.msk [tilespmem:v46+s3+$0x0], $0xffff;
	v34 =	vadd.f32 v39, v34;
	v31 =	vadd.f32 v41, v31  }
0x59: {  	v40 =	vsub.f32 v32, v40;
	v32 =	vsub.f32 v32, v35;
	v36 =	vmul.f32 v36, v36  }
0x5a: {  	v25 =	vmul.f32 v25, v25;
	v59 =	vld.idx.msk [tilespmem:v47+s13+$0x0], $0xffff;
	v28 =	vadd.f32 v28, v34;
	v16 =	vadd.f32 v16, v31  }
0x5b: {  	v33 =	vsub.f32 v30, v33;
	v26 =	vsub.f32 v30, v26;
	v31 =	vmul.f32 v40, v40  }
0x5c: {  	v28 =	vadd.f32 v36, v28;
	v16 =	vadd.f32 v25, v16;
	v25 =	vmul.f32 v32, v32  }
0x5d: {  	v30 =	vmul.f32 v33, v33;
	v60 =	vsub.f32 v29, v56;
	v29 =	vsub.f32 v29, v57  }
0x5e: {  	v28 =	vadd.f32 v31, v28;
	v16 =	vadd.f32 v25, v16;
	v25 =	vmul.f32 v26, v26  }
0x5f: {  	v24 =	vor.u32 v10, v20;
	v62 =	vsub.f32 v27, v59;
	v63 =	vmul.f32 v29, v29  }
0x60: {  	v31 =	vmul.f32 v60, v60;
	v30 =	vadd.f32 v30, v28;
	v25 =	vadd.f32 v25, v16  }
0x61: {  	v12 =	vld.idx.msk [tilespmem:v12+s20+$0x0], $0xffff;
	v27 =	vor.u32 v10, v14;
	v26 =	vor.u32 v10, v18;
	v28 =	vmul.f32 v61, v61  }
0x62: {  	s26 =	simm.s32 $0x17;
	v16 =	vld.idx.msk [tilespmem:v54+s3+$0x0], $0xffff;
	v29 =	vadd.f32 v31, v30;
	v30 =	vadd.f32 v63, v25;
	v31 =	vmul.f32 v62, v62  }
.LBB2_3:
0x63: {  	v32 =	vmov s26;
	p0 =	sne.s32 s26, $0x7F;
	v21 =	vbroadcast v21, $0x0;
	v33 =	vor.u32 v9, v18;
	v25 =	vld.idx.msk [tilespmem:v22+s3+$0x0], $0xffff  }
0x64: {  	s28 =	sadd.s32 $0xFFFFFFFF, s26;
	v22 =	vor.u32 v10, v19;
	v34 =	vld.idx.msk [tilespmem:v24+s3+$0x0], $0xffff;
	v28 =	vadd.f32 v28, v29;
	v29 =	vadd.f32 v31, v30  }
0x65: {  	s29 =	sadd.s32 $0xFFFFFFFD, s26;
	s30 =	sadd.s32 $0xFFFFFFFE, s26;
	v24 =	vmov s28;
	v30 =	vand.u32 $0x7F, v32;
	v31 =	vor.u32 v10, v21;
	v32 =	vld.idx.msk [tilespmem:v23+s3+$0x0], $0xffff  }
0x66: {  	s31 =	sadd.s32 $0xFFFFFFFC, s26;
	s28 =	sadd.s32 $0xFFFFFFFB, s26;
	v35 =	vmov s30;
	v23 =	vmov s29;
	v36 =	vor.u32 v9, v21;
	v27 =	vld.idx.msk [tilespmem:v27+s3+$0x0], $0xffff  }
0x67: {  	s30 =	sadd.s32 $0xFFFFFFFA, s26;
	v38 =	vmov s31;
	s29 =	sadd.s32 $0xFFFFFFF9, s26;
	v37 =	vmov s28;
	v39 =	vor.u32 v11, v21;
	v26 =	vld.idx.msk [tilespmem:v26+s3+$0x0], $0xffff  }
0x68: {  	v41 =	vor.u32 v9, v19;
	v40 =	vmov s30;
	v21 =	vmov s29;
	v33 =	vld.idx.msk [tilespmem:v33+s3+$0x0], $0xffff  }
0x69: {  	v19 =	vor.u32 v11, v19;
	v24 =	vand.u32 $0x7E, v24;
	v30 =	vbroadcast v30, $0x0;
	v42 =	vld.idx.msk [tilespmem:v22+s3+$0x0], $0xffff  }
0x6a: {  	v22 =	vand.u32 $0x7C, v23;
	v23 =	vand.u32 $0x7D, v35;
	v35 =	vor.u32 v11, v18;
	v31 =	vld.idx.msk [tilespmem:v31+s3+$0x0], $0xffff  }
0x6b: {  	v18 =	vand.u32 $0x7A, v37;
	v37 =	vand.u32 $0x7B, v38;
	v38 =	vor.u32 v9, v14;
	v36 =	vld.idx.msk [tilespmem:v36+s3+$0x0], $0xffff  }
0x6c: {  	v43 =	vor.u32 v11, v14;
	v40 =	vand.u32 $0x79, v40;
	v21 =	vand.u32 $0x78, v21;
	v39 =	vld.idx.msk [tilespmem:v39+s13+$0x0], $0xffff  }
0x6d: {  	v45 =	vbroadcast v24, $0x0;
	v44 =	vbroadcast v23, $0x0;
	v23 =	vor.u32 v9, v13;
	v41 =	vld.idx.msk [tilespmem:v41+s3+$0x0], $0xffff  }
0x6e: {  	v46 =	vor.u32 v11, v13;
	v14 =	vbroadcast v37, $0x0;
	v13 =	vbroadcast v22, $0x0;
	v37 =	vld.idx.msk [tilespmem:v19+s13+$0x0], $0xffff  }
0x6f: {  	v18 =	vbroadcast v18, $0x0;
	v19 =	vbroadcast v40, $0x0;
	v40 =	vor.u32 v9, v20;
	v35 =	vld.idx.msk [tilespmem:v35+s13+$0x0], $0xffff  }
0x70: {  	v48 =	vor.u32 v9, v15;
	v47 =	vor.u32 v10, v30;
	v20 =	vor.u32 v11, v20;
	v38 =	vld.idx.msk [tilespmem:v38+s3+$0x0], $0xffff  }
0x71: {  	v49 =	vor.u32 v9, v17;
	v15 =	vor.u32 v11, v15;
	v22 =	vor.u32 v10, v45;
	v43 =	vld.idx.msk [tilespmem:v43+s13+$0x0], $0xffff  }
0x72: {  	v17 =	vor.u32 v11, v17;
	v36 =	vsub.f32 v31, v36;
	v31 =	vsub.f32 v31, v39;
	v39 =	vld.idx.msk [tilespmem:v23+s3+$0x0], $0xffff  }
0x73: {  	v24 =	vor.u32 v10, v44;
	v23 =	vor.u32 v10, v13;
	v41 =	vsub.f32 v42, v41;
	v46 =	vld.idx.msk [tilespmem:v46+s13+$0x0], $0xffff  }
0x74: {  	v36 =	vmul.f32 v36, v36;
	v31 =	vmul.f32 v31, v31;
	v37 =	vsub.f32 v42, v37;
	v40 =	vld.idx.msk [tilespmem:v40+s3+$0x0], $0xffff  }
0x75: {  	v33 =	vsub.f32 v26, v33;
	v41 =	vmul.f32 v41, v41;
	v26 =	vsub.f32 v26, v35;
	v20 =	vld.idx.msk [tilespmem:v20+s13+$0x0], $0xffff  }
0x76: {  	v28 =	vadd.f32 v36, v28;
	v29 =	vadd.f32 v31, v29;
	v31 =	vmul.f32 v37, v37;
	v35 =	vld.idx.msk [tilespmem:v49+s3+$0x0], $0xffff  }
0x77: {  	v33 =	vmul.f32 v33, v33;
	v36 =	vsub.f32 v27, v38;
	v27 =	vsub.f32 v27, v43;
	v37 =	vld.idx.msk [tilespmem:v17+s13+$0x0], $0xffff  }
0x78: {  	v26 =	vmul.f32 v26, v26;
	v17 =	vadd.f32 v41, v28;
	v28 =	vadd.f32 v31, v29;
	v29 =	vld.idx.msk [tilespmem:v48+s3+$0x0], $0xffff  }
0x79: {  	v31 =	vmul.f32 v36, v36;
	v36 =	vsub.f32 v32, v39;
	v32 =	vsub.f32 v32, v46;
	v38 =	vld.idx.msk [tilespmem:v15+s13+$0x0], $0xffff  }
0x7a: {  	v27 =	vmul.f32 v27, v27;
	v39 =	vadd.f32 v33, v17;
	v26 =	vadd.f32 v26, v28;
	v15 =	vmovc v30  }
0x7b: {  	v28 =	vmul.f32 v36, v36;
	v30 =	vsub.f32 v34, v40;
	v33 =	vsub.f32 v34, v20;
	v20 =	vmovc v44  }
0x7c: {  	v31 =	vadd.f32 v31, v39;
	v26 =	vadd.f32 v27, v26;
	v27 =	vmul.f32 v32, v32;
	v17 =	vmovc v45  }
0x7d: {  	v30 =	vmul.f32 v30, v30;
	v32 =	vsub.f32 v25, v35;
	v25 =	vsub.f32 v25, v37  }
.Ltmp0:
0x7e: {  	v28 =	vadd.f32 v28, v31;
	v26 =	vadd.f32 v27, v26;
	v27 =	vmul.f32 v33, v33;
	(pc) =	sbr.rel @p0 .LBB2_3-.Ltmp0, $4  }
0x7f: {  	v31 =	vmul.f32 v32, v32;
	v29 =	vsub.f32 v16, v29;
	v32 =	vsub.f32 v16, v38  }
0x80: {  	v25 =	vmul.f32 v25, v25;
	v30 =	vadd.f32 v30, v28;
	v33 =	vadd.f32 v27, v26  }
0x81: {  	v26 =	vor.u32 v10, v18;
	v27 =	vor.u32 v10, v14;
	v28 =	vmul.f32 v29, v29  }
0x82: {  	s26 =	sadd.s32 $0x8, s26;
	v29 =	vadd.f32 v31, v30;
	v30 =	vadd.f32 v25, v33;
	v31 =	vmul.f32 v32, v32;
	v16 =	vld.idx.msk [tilespmem:v47+s3+$0x0], $0xffff  }
0x83: {  	_ =	sdelay $0x2  }
0x84: {  	v21 =	vbroadcast v21, $0x0  }
0x85: {  	v22 =	vld.idx.msk [tilespmem:v22+s3+$0x0], $0xffff;
	v25 =	vor.u32 v10, v19  }
0x86: {  	v24 =	vld.idx.msk [tilespmem:v24+s3+$0x0], $0xffff;
	v50 =	vor.u32 v10, v21  }
0x87: {  	v23 =	vld.idx.msk [tilespmem:v23+s3+$0x0], $0xffff;
	v32 =	vor.u32 v9, v21  }
0x88: {  	v27 =	vld.idx.msk [tilespmem:v27+s3+$0x0], $0xffff;
	v21 =	vor.u32 v11, v21  }
0x89: {  	v26 =	vld.idx.msk [tilespmem:v26+s3+$0x0], $0xffff;
	v33 =	vor.u32 v9, v19  }
0x8a: {  	v51 =	vor.u32 v11, v19;
	v25 =	vld.idx.msk [tilespmem:v25+s3+$0x0], $0xffff  }
0x8b: {  	v34 =	vor.u32 v9, v18;
	v10 =	vld.idx.msk [tilespmem:v50+s3+$0x0], $0xffff  }
0x8c: {  	v52 =	vor.u32 v11, v18;
	v32 =	vld.idx.msk [tilespmem:v32+s3+$0x0], $0xffff  }
0x8d: {  	v35 =	vor.u32 v9, v14;
	v21 =	vld.idx.msk [tilespmem:v21+s13+$0x0], $0xffff  }
0x8e: {  	v53 =	vor.u32 v11, v14;
	v33 =	vld.idx.msk [tilespmem:v33+s3+$0x0], $0xffff  }
0x8f: {  	v36 =	vor.u32 v9, v13;
	v19 =	vld.idx.msk [tilespmem:v51+s13+$0x0], $0xffff  }
0x90: {  	v56 =	vor.u32 v11, v13;
	v57 =	vor.u32 v9, v20;
	v58 =	vor.u32 v11, v20;
	v55 =	vld.idx.msk [tilespmem:v34+s3+$0x0], $0xffff  }
0x91: {  	v60 =	vor.u32 v9, v15;
	v61 =	vor.u32 v9, v17;
	v18 =	vld.idx.msk [tilespmem:v52+s13+$0x0], $0xffff;
	v32 =	vsub.f32 v10, v32  }
0x92: {  	v62 =	vor.u32 v11, v15;
	v37 =	vor.u32 v11, v17;
	v59 =	vld.idx.msk [tilespmem:v35+s3+$0x0], $0xffff;
	v10 =	vsub.f32 v10, v21  }
0x93: {  	v28 =	vadd.f32 v28, v29;
	v14 =	vld.idx.msk [tilespmem:v53+s13+$0x0], $0xffff;
	v63 =	vsub.f32 v25, v33;
	v32 =	vmul.f32 v32, v32  }
0x94: {  	v54 =	vadd.f32 v31, v30;
	v36 =	vld.idx.msk [tilespmem:v36+s3+$0x0], $0xffff;
	v38 =	vsub.f32 v25, v19;
	v10 =	vmul.f32 v10, v10  }
0x95: {  	v13 =	vld.idx.msk [tilespmem:v56+s13+$0x0], $0xffff;
	v40 =	vsub.f32 v26, v55;
	v39 =	vmul.f32 v63, v63;
	v41 =	vadd.f32 v32, v28  }
0x96: {  	v42 =	vld.idx.msk [tilespmem:v57+s3+$0x0], $0xffff;
	v18 =	vsub.f32 v26, v18;
	v17 =	vmul.f32 v38, v38;
	v10 =	vadd.f32 v10, v54  }
0x97: {  	v20 =	vld.idx.msk [tilespmem:v58+s13+$0x0], $0xffff;
	v43 =	vsub.f32 v27, v59;
	v21 =	vmul.f32 v40, v40;
	v19 =	vadd.f32 v39, v41  }
0x98: {  	v9 =	vld.idx.msk [tilespmem:v61+s3+$0x0], $0xffff;
	v14 =	vsub.f32 v27, v14;
	v44 =	vmul.f32 v18, v18;
	v10 =	vadd.f32 v17, v10  }
0x99: {  	v11 =	vld.idx.msk [tilespmem:v37+s13+$0x0], $0xffff;
	v46 =	vsub.f32 v23, v36;
	v45 =	vmul.f32 v43, v43;
	v19 =	vadd.f32 v21, v19  }
0x9a: {  	v47 =	vld.idx.msk [tilespmem:v60+s3+$0x0], $0xffff;
	v13 =	vsub.f32 v23, v13;
	v14 =	vmul.f32 v14, v14;
	v10 =	vadd.f32 v44, v10  }
0x9b: {  	v15 =	vld.idx.msk [tilespmem:v62+s13+$0x0], $0xffff;
	v49 =	vsub.f32 v24, v42;
	v48 =	vmul.f32 v46, v46;
	v18 =	vadd.f32 v45, v19  }
0x9c: {  	v50 =	vsub.f32 v24, v20;
	v13 =	vmul.f32 v13, v13;
	v10 =	vadd.f32 v14, v10  }
0x9d: {  	v9 =	vsub.f32 v22, v9;
	v51 =	vmul.f32 v49, v49;
	v17 =	vadd.f32 v48, v18  }
0x9e: {  	v11 =	vsub.f32 v22, v11;
	v52 =	vmul.f32 v50, v50;
	v10 =	vadd.f32 v13, v10  }
0x9f: {  	v53 =	vsub.f32 v16, v47;
	v9 =	vmul.f32 v9, v9;
	v14 =	vadd.f32 v51, v17  }
0xa0: {  	v15 =	vsub.f32 v16, v15;
	v11 =	vmul.f32 v11, v11;
	v10 =	vadd.f32 v52, v10  }
0xa1: {  	v54 =	vmul.f32 v53, v53;
	v9 =	vadd.f32 v9, v14  }
0xa2: {  	v55 =	vmul.f32 v15, v15;
	v10 =	vadd.f32 v11, v10  }
0xa3: {  	v9 =	vadd.f32 v54, v9  }
0xa4: {  	v10 =	vadd.f32 v55, v10  }
0xa5: {  	v9 =	vadd.f32 $9.999999930e-09, v9  }
0xa6: {  	v10 =	vadd.f32 $9.999999930e-09, v10  }
0xa7: {  	v56 =	vshrl.u32 v9, $0x1  }
0xa8: {  	v57 =	vmul.f32 $5.000000000e-01, v9;
	v58 =	vshrl.u32 v10, $0x1;
	v59 =	vmul.f32 $5.000000000e-01, v10  }
0xa9: {  	v11 =	vsub.s32 $0x5F3759DF, v56;
	v14 =	vsub.s32 $0x5F3759DF, v58  }
0xaa: {  	v60 =	vmul.f32 v11, v57;
	v61 =	vmul.f32 v14, v59;
	_ =	sdelay $0x1  }
0xab: {  	v16 =	vmul.f32 v11, v60;
	v17 =	vmul.f32 v14, v61;
	_ =	sdelay $0x1  }
0xac: {  	v16 =	vsub.f32 $1.500000000e+00, v16;
	v17 =	vsub.f32 $1.500000000e+00, v17;
	_ =	sdelay $0x1  }
0xad: {  	v11 =	vmul.f32 v11, v16;
	v14 =	vmul.f32 v14, v17;
	_ =	sdelay $0x1  }
0xae: {  	v16 =	vmul.f32 v11, v57;
	v17 =	vmul.f32 v14, v59;
	_ =	sdelay $0x1  }
0xaf: {  	v16 =	vmul.f32 v16, v11;
	v17 =	vmul.f32 v17, v14;
	_ =	sdelay $0x1  }
0xb0: {  	v16 =	vsub.f32 $1.500000000e+00, v16;
	v17 =	vsub.f32 $1.500000000e+00, v17;
	_ =	sdelay $0x1  }
0xb1: {  	v11 =	vmul.f32 v16, v11;
	v14 =	vmul.f32 v17, v14;
	_ =	sdelay $0x1  }
0xb2: {  	v13 =	vmul.f32 v11, v57;
	v15 =	vmul.f32 v14, v59;
	_ =	sdelay $0x1  }
0xb3: {  	v13 =	vmul.f32 v13, v11;
	v15 =	vmul.f32 v15, v14;
	_ =	sdelay $0x1  }
0xb4: {  	v13 =	vsub.f32 $1.500000000e+00, v13;
	v15 =	vsub.f32 $1.500000000e+00, v15;
	_ =	sdelay $0x1  }
0xb5: {  	v11 =	vmul.f32 v13, v11;
	v62 =	vmul.f32 v15, v14;
	_ =	sdelay $0x1  }
0xb6: {  	v9 =	vmul.f32 v11, v9;
	v10 =	vmul.f32 v62, v10;
	_ =	sdelay $0x1  }
0xb7: {  	v9 =	vsub.f32 v9, v12;
	v10 =	vsub.f32 v12, v10;
	_ =	sdelay $0x1  }
0xb8: {  	v9 =	vadd.f32 $2.000000030e-01, v9;
	v10 =	vadd.f32 $2.000000030e-01, v10  }
0xb9: {  	s25 =	sadd.s32 $0x1, s25  }
0xba: {  	p0 =	sne.s32 s25, $0x20;
	v9 =	vmax.f32 v9, $0.0e+00;
	v10 =	vmax.f32 v10, $0.0e+00  }
.Ltmp1:
0xbb: {  	vm0 =	vgt.f32 v9, $0.0e+00;
	vm1 =	vgt.f32 v10, $0.0e+00;
	(pc) =	sbr.rel @p0 .LBB2_2-.Ltmp1, $4  }
0xbc: {  	vm2 =	vlt.u32 v8, $0x1F4;
	v8 =	vadd.f32 v10, v9;
	vm0 =	vmor vm0, vm1  }
0xbd: {  	vm0 =	vmand vm2, vm0  }
0xbe: {  	v8 =	vnsel vm2, $0x0, v8;
	v63 =	vsel vm0, $0x1, v4  }
0xbf: {  	v7 =	vadd.f32 v8, v7;
	v5 =	vadd.s32 v63, v5  }
0xc0: {  	[tilespmem:$0x14780] =	vst v5  }
0xc1: {  	[tilespmem:$0x14700] =	vst v7  }
0xc2: {  	[hbm4b:s7+s3] =	stream.linear.scatter [tilespmem:s22], [sflag:$0x2], $0x10, $0x38;
	[tilespmem:$0x14800] =	vst v63  }
0xc3: {  	s24 =	sadd.s32 $0x1, s24;
	_ =	swait.ge [sflag:s11], $0x10  }
0xc4: {  	p0 =	sne.s32 s24, s9;
	[sflag:s11] =	ssyncset.done $0x0  }
.Ltmp2:
0xc5: {  	[sflag:s11] =	ssyncadd.s32 $0xFFFFFFF0;
	(pc) =	sbr.rel @p0 .LBB2_1-.Ltmp2, $4  }
0xc6: {  	[hbm4b:s8+s3] =	stream.linear.scatter [tilespmem:s23], [sflag:$0x2], $0x10, $0x38;
	[tilespmem:$0x14800] =	vst v63  }
0xc7: {  	_ =	swait.ge [sflag:s11], $0x10  }
0xc8: {  	[sflag:s11] =	ssyncset.done $0x0  }
0xc9: {  	[sflag:s11] =	ssyncadd.s32 $0xFFFFFFF0  }
0xca: {  	_ =	sfence.sel $0x180000  }
0xcb: {  	[bflag:$0x0] =	sbarrier.arrive $0xFFFF  }
0xcc: {  	p0 =	sne.s32 s0, $0x0;
	_ =	strace $0x90000047  }
0xcd: {  	s0 =	sadd.s32 @!p0 $0x100000, s2;
	[bflag:$0x2] =	sbarrier.arrive $0xFFFF  }
0xce: {  	[sflag:s0] =	ssyncadd.tile.s32 @!p0 $0x1;
	_ =	shalt  }
.Lfunc_end2:
_tile_overlayer_lowered:
.L_overlay_start_2:
0xcf: {  	(tag) =	ssettag $0x2  }
0xd0: {  	s0 =	rddreg [dreg:$0x0];
	s2 =	stileid.u32  }
0xd1: {  	s1 =	rddreg [dreg:$0x1];
	p0 =	sne.s32 s2, $0x0  }
0xd2: {  	s3 =	rddreg [dreg:$0x2];
	[bflag:$0x3] =	sbarrier.arrive $0xFFFF;
	s2 =	simm.s32 @!p0 $0x1C02  }
0xd3: {  	[timem:s3], [sflag:s2] =	dma.local @!p0 [hbm:s0], s1  }
0xd4: {  	s0 =	simm.s32 @!p0 $0x2  }
0xd5: {  	_ =	swait.ge @!p0 [sflag:s0], s1  }
0xd6: {  	s1 =	ssub.s32 @!p0 $0x0, s1;
	[sflag:s0] =	ssyncset.done @!p0 $0x0  }
0xd7: {  	[sflag:s0] =	ssyncadd.s32 @!p0 s1  }
0xd8: {  	[bflag:$0x3] =	sbarrier.arrive $0xFFFF  }
0xd9: {  	_ =	shalt  }

</sc_bundles>
